<compile_context>
chip_gen: v7x
topology: tpu7x:2x2x1
jax: 0.10.2.dev20260603
libtpu: 0.0.44.dev20260713+nightly
codegen_flags: <defaults>
</compile_context>

<pallas_src>
import functools

import jax
import jax.numpy as jnp
from jax.experimental import pallas as pl
from jax.experimental.pallas import tpu as pltpu
from jax.experimental.pallas import tpu_sc as plsc


def _tc_body(vis_ref, tac_ref, wv_ref, wt_ref, bp_ref, ei_ref,
             x_ref, attr_ref, mt_ref):
    b = pl.program_id(0)
    N, E = mt_ref.shape
    cv = vis_ref.shape[2]

    @pl.when(b == 0)
    def _build_incidence():
        ids = jax.lax.broadcasted_iota(jnp.int32, (N, E), 0)
        s = ei_ref[0:1, :]
        d = ei_ref[1:2, :]
        mt_ref[...] = (ids == s).astype(jnp.float32) - (ids == d).astype(jnp.float32)

    v = vis_ref[0]
    t = tac_ref[0]
    x_ref[0, :, 0:cv] = v
    x_ref[0, :, cv:] = t
    dims = (((0,), (1,)), ((), ()))
    cT = (jax.lax.dot_general(wv_ref[...], v, dims,
                              preferred_element_type=jnp.float32)
          + jax.lax.dot_general(wt_ref[...], t, dims,
                                preferred_element_type=jnp.float32)
          + bp_ref[...])
    diffT = jnp.dot(cT, mt_ref[...], preferred_element_type=jnp.float32)
    dx = diffT[0:1, :]
    dy = diffT[1:2, :]
    dist = jnp.sqrt(dx * dx + dy * dy)
    w = 1.0 / (dist + 1e-6)
    attr_ref[0] = 1.0 / (1.0 + jnp.exp(-w))


def _sc_body(E, N, B, eif_hbm, eibf_hbm, ei_v, eo_v):
    c = jax.lax.axis_index("c")
    s = jax.lax.axis_index("s")
    wid = s * 2 + c
    b = wid % B
    h = wid // B

    pltpu.sync_copy(eif_hbm.at[pl.ds(h * E, E)], ei_v)

    for i in range(E // 16):
        eo_v[pl.ds(i * 16, 16)] = ei_v[pl.ds(i * 16, 16)] + b * N
    pltpu.sync_copy(eo_v, eibf_hbm.at[pl.ds(h * B * E + b * E, E)])


def kernel(visual_feat, tactile_feat, Wp, bp, edge_index):
    B, Cv, H, W = visual_feat.shape
    Ct = tactile_feat.shape[1]
    C = Cv + Ct
    N = H * W
    E = edge_index.shape[1]

    vis = jnp.transpose(visual_feat, (0, 2, 3, 1)).reshape(B, N, Cv)
    tac = jnp.transpose(tactile_feat, (0, 2, 3, 1)).reshape(B, N, Ct)
    wv = Wp[:Cv]
    wt = Wp[Cv:]
    bp2 = bp.reshape(2, 1)
    ei = edge_index.astype(jnp.int32)
    eif = ei.reshape(2 * E)

    sc_fn = pl.kernel(
        functools.partial(_sc_body, E, N, B),
        out_type=jax.ShapeDtypeStruct((2 * B * E,), jnp.int32),
        mesh=plsc.VectorSubcoreMesh(core_axis_name="c", subcore_axis_name="s"),
        compiler_params=pltpu.CompilerParams(needs_layout_passes=False),
        scratch_types=[
            pltpu.VMEM((E,), jnp.int32),
            pltpu.VMEM((E,), jnp.int32),
        ],
    )
    eibf = sc_fn(eif)

    x_out, attr_out = pl.pallas_call(
        _tc_body,
        grid=(B,),
        in_specs=[
            pl.BlockSpec((1, N, Cv), lambda b: (b, 0, 0)),
            pl.BlockSpec((1, N, Ct), lambda b: (b, 0, 0)),
            pl.BlockSpec((Cv, 2), lambda b: (0, 0)),
            pl.BlockSpec((Ct, 2), lambda b: (0, 0)),
            pl.BlockSpec((2, 1), lambda b: (0, 0)),
            pl.BlockSpec((2, E), lambda b: (0, 0)),
        ],
        out_specs=[
            pl.BlockSpec((1, N, C), lambda b: (b, 0, 0)),
            pl.BlockSpec((1, 1, E), lambda b: (b, 0, 0)),
        ],
        out_shape=[
            jax.ShapeDtypeStruct((B, N, C), jnp.float32),
            jax.ShapeDtypeStruct((B, 1, E), jnp.float32),
        ],
        scratch_shapes=[pltpu.VMEM((N, E), jnp.float32)],
    )(vis, tac, wv, wt, bp2, ei)

    x_batched = x_out.reshape(B * N, C)
    edge_index_batched = eibf.reshape(2, B * E).astype(edge_index.dtype)
    edge_attr_batched = attr_out.reshape(B * E, 1)
    return (x_batched, edge_index_batched, edge_attr_batched)

# --- scband reference (transcript-rebuilt; emitter-appended) ---
"""Pipeline reference for scband-feature-to-graph-69518340653372 (READ-ONLY COPY).

The authoritative reference and input builder live on the scoring server;
editing this copy changes nothing except your own understanding.
"""

import jax, jax.numpy as jnp
import numpy as np


def _grid_edge_index(h, w):
    edges = []
    for r in range(h):
        for c in range(w):
            nid = r * w + c
            if c < w - 1:
                edges.append([nid, nid + 1])
            if r < h - 1:
                edges.append([nid, nid + w])
    return jnp.asarray(np.array(edges, dtype=np.int64).T)  # [2, E]


def setup_inputs(seed: int = 0) -> dict:
    key = jax.random.key(seed)
    k1, k2, k3, k4 = jax.random.split(key, 4)
    B, Cv, Ct, H, W = 16, 768, 768, 24, 24
    visual_feat = jax.random.normal(k1, (B, Cv, H, W), dtype=jnp.float32)
    tactile_feat = jax.random.normal(k2, (B, Ct, H, W), dtype=jnp.float32)
    Wp = jax.random.normal(k3, (Cv + Ct, 2), dtype=jnp.float32) * (1.0 / np.sqrt(Cv + Ct))
    bp = jax.random.normal(k4, (2,), dtype=jnp.float32) * 0.01
    edge_index = _grid_edge_index(H, W)
    return {"visual_feat": visual_feat, "tactile_feat": tactile_feat, "Wp": Wp, "bp": bp, "edge_index": edge_index}


def reference(visual_feat, tactile_feat, Wp, bp, edge_index):
    B, Cv, H, W = visual_feat.shape
    # cat on channel dim, then NCHW -> N(HW)C
    node_feat = jnp.concatenate([visual_feat, tactile_feat], axis=1)
    node_feat = jnp.transpose(node_feat, (0, 2, 3, 1)).reshape(B, H * W, -1)  # [B, N, C]
    coords = node_feat @ Wp + bp  # [B, N, 2]
    src = edge_index[0]
    dst = edge_index[1]
    diff = coords[:, src, :] - coords[:, dst, :]  # [B, E, 2]
    dist = jnp.linalg.norm(diff, axis=-1)  # [B, E]
    edge_attr = jax.nn.sigmoid(1.0 / (dist + 1e-06))[..., None]  # [B, E, 1]
    # Batch.from_data_list equivalent: stack node features, offset edge indices
    N = H * W
    E = edge_index.shape[1]
    x_batched = node_feat.reshape(B * N, -1)  # [B*N, C]
    offsets = (jnp.arange(B, dtype=edge_index.dtype) * N)[None, :, None]  # [1, B, 1]
    edge_index_batched = (edge_index[:, None, :] + offsets).reshape(2, B * E)  # [2, B*E]
    edge_attr_batched = edge_attr.reshape(B * E, 1)  # [B*E, 1]
    return (x_batched, edge_index_batched, edge_attr_batched)

if __name__ == "__main__":
    import jax
    _d = setup_inputs()
    print(jax.jit(kernel)(*tuple(_d.values())))

</pallas_src>

<mosaic_0001>
#map = affine_map<(d0, d1) -> (0)>
module attributes {stable_mosaic.version = 14 : i64} {
  func.func @_sc_body(%arg0: i32, %arg1: i32, %arg2: memref<2208xi32, #tpu.memory_space<hbm>>, %arg3: memref<35328xi32, #tpu.memory_space<hbm>>, %arg4: memref<1104xi32, #tpu.memory_space<vmem>>, %arg5: memref<1104xi32, #tpu.memory_space<vmem>>) attributes {dimension_semantics = [#tpu.dimension_semantics<core_parallel>, #tpu.dimension_semantics<subcore_parallel>], iteration_bounds = array<i64: 2, 16>, scalar_prefetch = 0 : i64, scratch_operands = 2 : i64, tpu.core_type = #tpu.core_type<sc_vector_subcore>, window_params = [{transform_indices = #map}, {transform_indices = #map}]} {
    %mul3A = arith.constant 2 : i32
    %mul3A_0 = arith.muli %arg1, %mul3A : i32
    %add3A = arith.addi %mul3A_0, %arg0 : i32
    %jit3A = arith.constant 16 : i32
    %eq3A = arith.constant 0 : i32
    %eq3A_1 = arith.cmpi eq, %jit3A, %eq3A : i32
    %jit3A_2 = arith.constant 1 : i32
    %select_n3A = arith.select %eq3A_1, %jit3A_2, %jit3A : i32
    %rem3A = arith.remsi %add3A, %select_n3A : i32
    %ne3A = arith.constant 0 : i32
    %ne3A_3 = arith.cmpi ne, %rem3A, %ne3A : i32
    %lt3A = arith.constant 0 : i32
    %lt3A_4 = arith.cmpi slt, %rem3A, %lt3A : i32
    %lt3A_5 = arith.constant 0 : i32
    %lt3A_6 = arith.cmpi slt, %select_n3A, %lt3A_5 : i32
    %ne3A_7 = arith.xori %lt3A_4, %lt3A_6 : i1
    %and3A = arith.andi %ne3A_7, %ne3A_3 : i1
    %add3A_8 = arith.addi %rem3A, %select_n3A : i32
    %select_n3A_9 = arith.select %and3A, %add3A_8, %rem3A : i32
    %jit3A_10 = arith.constant 16 : i32
    %div3A = arith.divsi %add3A, %jit3A_10 : i32
    %sign3A = arith.constant 0 : i32
    %sign3A_11 = arith.cmpi sgt, %add3A, %sign3A : i32
    %sign3A_12 = arith.extui %sign3A_11 : i1 to i32
    %sign3A_13 = arith.constant 0 : i32
    %sign3A_14 = arith.cmpi slt, %add3A, %sign3A_13 : i32
    %sign3A_15 = arith.extui %sign3A_14 : i1 to i32
    %sign3A_16 = arith.subi %sign3A_12, %sign3A_15 : i32
    %sign3A_17 = arith.constant 0 : i32
    %sign3A_18 = arith.cmpi sgt, %jit3A_10, %sign3A_17 : i32
    %sign3A_19 = arith.extui %sign3A_18 : i1 to i32
    %sign3A_20 = arith.constant 0 : i32
    %sign3A_21 = arith.cmpi slt, %jit3A_10, %sign3A_20 : i32
    %sign3A_22 = arith.extui %sign3A_21 : i1 to i32
    %sign3A_23 = arith.subi %sign3A_19, %sign3A_22 : i32
    %ne3A_24 = arith.cmpi ne, %sign3A_16, %sign3A_23 : i32
    %rem3A_25 = arith.remsi %add3A, %jit3A_10 : i32
    %ne3A_26 = arith.constant 0 : i32
    %ne3A_27 = arith.cmpi ne, %rem3A_25, %ne3A_26 : i32
    %and3A_28 = arith.andi %ne3A_24, %ne3A_27 : i1
    %sub3A = arith.constant 1 : i32
    %sub3A_29 = arith.subi %div3A, %sub3A : i32
    %select_n3A_30 = arith.select %and3A_28, %sub3A_29, %div3A : i32
    %mul3A_31 = arith.constant 1104 : i32
    %mul3A_32 = arith.muli %select_n3A_30, %mul3A_31 : i32
    "tpu.region"() ({
      %run_scoped3A = tpu.sem_alloc : memref<!tpu.dma_semaphore, #tpu.memory_space<semaphore_mem>>
      %dma_start3A = tpu.memref_slice %arg2[%mul3A_32] : memref<2208xi32, #tpu.memory_space<hbm>> -> memref<1104xi32, #tpu.memory_space<hbm>>
      %dma_start3A_590 = tpu.memref_slice %arg2[%mul3A_32] : memref<2208xi32, #tpu.memory_space<hbm>> -> memref<1104xi32, #tpu.memory_space<hbm>>
      tpu.enqueue_dma source(%dma_start3A_590 : memref<1104xi32, #tpu.memory_space<hbm>>) target(%arg4 : memref<1104xi32, #tpu.memory_space<vmem>>) target_semaphore(%run_scoped3A : memref<!tpu.dma_semaphore, #tpu.memory_space<semaphore_mem>>)
      %dma_wait3A = tpu.memref_slice %arg2[%mul3A_32] : memref<2208xi32, #tpu.memory_space<hbm>> -> memref<1104xi32, #tpu.memory_space<hbm>>
      %dma_wait3A_591 = tpu.memref_slice %arg2[%mul3A_32] : memref<2208xi32, #tpu.memory_space<hbm>> -> memref<1104xi32, #tpu.memory_space<hbm>>
      tpu.wait_dma2 semaphore(%run_scoped3A : memref<!tpu.dma_semaphore, #tpu.memory_space<semaphore_mem>>) src(%dma_wait3A_591 : memref<1104xi32, #tpu.memory_space<hbm>>) dst(%arg4 : memref<1104xi32, #tpu.memory_space<vmem>>)
      tpu.yield
    }) : () -> ()
    %get3A = arith.constant 0 : index
    %get3A_33 = tpu.vector_load %arg4[%get3A] {strides = array<i32>} : memref<1104xi32, #tpu.memory_space<vmem>>, vector<16xi32>,
    %mul3A_34 = arith.constant 576 : i32
    %mul3A_35 = arith.muli %select_n3A_9, %mul3A_34 : i32
    %add3A_36 = vector.broadcast %mul3A_35 : i32 to vector<16xi32>
    %add3A_37 = arith.addi %get3A_33, %add3A_36 : vector<16xi32>
    %swap3A = arith.constant 0 : index
    %swap3A_38 = tpu.vector_load %arg5[%swap3A] {strides = array<i32>} : memref<1104xi32, #tpu.memory_space<vmem>>, vector<16xi32>,
    tpu.vector_store %arg5[%swap3A], %add3A_37 {strides = array<i32>} : memref<1104xi32, #tpu.memory_space<vmem>>, vector<16xi32>,
    %get3A_39 = arith.constant 16 : index
    %get3A_40 = tpu.vector_load %arg4[%get3A_39] {strides = array<i32>} : memref<1104xi32, #tpu.memory_space<vmem>>, vector<16xi32>,
    %mul3A_41 = arith.constant 576 : i32
    %mul3A_42 = arith.muli %select_n3A_9, %mul3A_41 : i32
    %add3A_43 = vector.broadcast %mul3A_42 : i32 to vector<16xi32>
    %add3A_44 = arith.addi %get3A_40, %add3A_43 : vector<16xi32>
    %swap3A_45 = arith.constant 16 : index
    %swap3A_46 = tpu.vector_load %arg5[%swap3A_45] {strides = array<i32>} : memref<1104xi32, #tpu.memory_space<vmem>>, vector<16xi32>,
    tpu.vector_store %arg5[%swap3A_45], %add3A_44 {strides = array<i32>} : memref<1104xi32, #tpu.memory_space<vmem>>, vector<16xi32>,
    %get3A_47 = arith.constant 32 : index
    %get3A_48 = tpu.vector_load %arg4[%get3A_47] {strides = array<i32>} : memref<1104xi32, #tpu.memory_space<vmem>>, vector<16xi32>,
    %mul3A_49 = arith.constant 576 : i32
    %mul3A_50 = arith.muli %select_n3A_9, %mul3A_49 : i32
    %add3A_51 = vector.broadcast %mul3A_50 : i32 to vector<16xi32>
    %add3A_52 = arith.addi %get3A_48, %add3A_51 : vector<16xi32>
    %swap3A_53 = arith.constant 32 : index
    %swap3A_54 = tpu.vector_load %arg5[%swap3A_53] {strides = array<i32>} : memref<1104xi32, #tpu.memory_space<vmem>>, vector<16xi32>,
    tpu.vector_store %arg5[%swap3A_53], %add3A_52 {strides = array<i32>} : memref<1104xi32, #tpu.memory_space<vmem>>, vector<16xi32>,
    %get3A_55 = arith.constant 48 : index
    %get3A_56 = tpu.vector_load %arg4[%get3A_55] {strides = array<i32>} : memref<1104xi32, #tpu.memory_space<vmem>>, vector<16xi32>,
    %mul3A_57 = arith.constant 576 : i32
    %mul3A_58 = arith.muli %select_n3A_9, %mul3A_57 : i32
    %add3A_59 = vector.broadcast %mul3A_58 : i32 to vector<16xi32>
    %add3A_60 = arith.addi %get3A_56, %add3A_59 : vector<16xi32>
    %swap3A_61 = arith.constant 48 : index
    %swap3A_62 = tpu.vector_load %arg5[%swap3A_61] {strides = array<i32>} : memref<1104xi32, #tpu.memory_space<vmem>>, vector<16xi32>,
    tpu.vector_store %arg5[%swap3A_61], %add3A_60 {strides = array<i32>} : memref<1104xi32, #tpu.memory_space<vmem>>, vector<16xi32>,
    %get3A_63 = arith.constant 64 : index
    %get3A_64 = tpu.vector_load %arg4[%get3A_63] {strides = array<i32>} : memref<1104xi32, #tpu.memory_space<vmem>>, vector<16xi32>,
    %mul3A_65 = arith.constant 576 : i32
    %mul3A_66 = arith.muli %select_n3A_9, %mul3A_65 : i32
    %add3A_67 = vector.broadcast %mul3A_66 : i32 to vector<16xi32>
    %add3A_68 = arith.addi %get3A_64, %add3A_67 : vector<16xi32>
    %swap3A_69 = arith.constant 64 : index
    %swap3A_70 = tpu.vector_load %arg5[%swap3A_69] {strides = array<i32>} : memref<1104xi32, #tpu.memory_space<vmem>>, vector<16xi32>,
    tpu.vector_store %arg5[%swap3A_69], %add3A_68 {strides = array<i32>} : memref<1104xi32, #tpu.memory_space<vmem>>, vector<16xi32>,
    %get3A_71 = arith.constant 80 : index
    %get3A_72 = tpu.vector_load %arg4[%get3A_71] {strides = array<i32>} : memref<1104xi32, #tpu.memory_space<vmem>>, vector<16xi32>,
    %mul3A_73 = arith.constant 576 : i32
    %mul3A_74 = arith.muli %select_n3A_9, %mul3A_73 : i32
    %add3A_75 = vector.broadcast %mul3A_74 : i32 to vector<16xi32>
    %add3A_76 = arith.addi %get3A_72, %add3A_75 : vector<16xi32>
    %swap3A_77 = arith.constant 80 : index
    %swap3A_78 = tpu.vector_load %arg5[%swap3A_77] {strides = array<i32>} : memref<1104xi32, #tpu.memory_space<vmem>>, vector<16xi32>,
    tpu.vector_store %arg5[%swap3A_77], %add3A_76 {strides = array<i32>} : memref<1104xi32, #tpu.memory_space<vmem>>, vector<16xi32>,
    %get3A_79 = arith.constant 96 : index
    %get3A_80 = tpu.vector_load %arg4[%get3A_79] {strides = array<i32>} : memref<1104xi32, #tpu.memory_space<vmem>>, vector<16xi32>,
    %mul3A_81 = arith.constant 576 : i32
    %mul3A_82 = arith.muli %select_n3A_9, %mul3A_81 : i32
    %add3A_83 = vector.broadcast %mul3A_82 : i32 to vector<16xi32>
    %add3A_84 = arith.addi %get3A_80, %add3A_83 : vector<16xi32>
    %swap3A_85 = arith.constant 96 : index
    %swap3A_86 = tpu.vector_load %arg5[%swap3A_85] {strides = array<i32>} : memref<1104xi32, #tpu.memory_space<vmem>>, vector<16xi32>,
    tpu.vector_store %arg5[%swap3A_85], %add3A_84 {strides = array<i32>} : memref<1104xi32, #tpu.memory_space<vmem>>, vector<16xi32>,
    %get3A_87 = arith.constant 112 : index
    %get3A_88 = tpu.vector_load %arg4[%get3A_87] {strides = array<i32>} : memref<1104xi32, #tpu.memory_space<vmem>>, vector<16xi32>,
    %mul3A_89 = arith.constant 576 : i32
    %mul3A_90 = arith.muli %select_n3A_9, %mul3A_89 : i32
    %add3A_91 = vector.broadcast %mul3A_90 : i32 to vector<16xi32>
    %add3A_92 = arith.addi %get3A_88, %add3A_91 : vector<16xi32>
    %swap3A_93 = arith.constant 112 : index
    %swap3A_94 = tpu.vector_load %arg5[%swap3A_93] {strides = array<i32>} : memref<1104xi32, #tpu.memory_space<vmem>>, vector<16xi32>,
    tpu.vector_store %arg5[%swap3A_93], %add3A_92 {strides = array<i32>} : memref<1104xi32, #tpu.memory_space<vmem>>, vector<16xi32>,
    %get3A_95 = arith.constant 128 : index
    %get3A_96 = tpu.vector_load %arg4[%get3A_95] {strides = array<i32>} : memref<1104xi32, #tpu.memory_space<vmem>>, vector<16xi32>,
    %mul3A_97 = arith.constant 576 : i32
    %mul3A_98 = arith.muli %select_n3A_9, %mul3A_97 : i32
    %add3A_99 = vector.broadcast %mul3A_98 : i32 to vector<16xi32>
    %add3A_100 = arith.addi %get3A_96, %add3A_99 : vector<16xi32>
    %swap3A_101 = arith.constant 128 : index
    %swap3A_102 = tpu.vector_load %arg5[%swap3A_101] {strides = array<i32>} : memref<1104xi32, #tpu.memory_space<vmem>>, vector<16xi32>,
    tpu.vector_store %arg5[%swap3A_101], %add3A_100 {strides = array<i32>} : memref<1104xi32, #tpu.memory_space<vmem>>, vector<16xi32>,
    %get3A_103 = arith.constant 144 : index
    %get3A_104 = tpu.vector_load %arg4[%get3A_103] {strides = array<i32>} : memref<1104xi32, #tpu.memory_space<vmem>>, vector<16xi32>,
    %mul3A_105 = arith.constant 576 : i32
    %mul3A_106 = arith.muli %select_n3A_9, %mul3A_105 : i32
    %add3A_107 = vector.broadcast %mul3A_106 : i32 to vector<16xi32>
    %add3A_108 = arith.addi %get3A_104, %add3A_107 : vector<16xi32>
    %swap3A_109 = arith.constant 144 : index
    %swap3A_110 = tpu.vector_load %arg5[%swap3A_109] {strides = array<i32>} : memref<1104xi32, #tpu.memory_space<vmem>>, vector<16xi32>,
    tpu.vector_store %arg5[%swap3A_109], %add3A_108 {strides = array<i32>} : memref<1104xi32, #tpu.memory_space<vmem>>, vector<16xi32>,
    %get3A_111 = arith.constant 160 : index
    %get3A_112 = tpu.vector_load %arg4[%get3A_111] {strides = array<i32>} : memref<1104xi32, #tpu.memory_space<vmem>>, vector<16xi32>,
    %mul3A_113 = arith.constant 576 : i32
    %mul3A_114 = arith.muli %select_n3A_9, %mul3A_113 : i32
    %add3A_115 = vector.broadcast %mul3A_114 : i32 to vector<16xi32>
    %add3A_116 = arith.addi %get3A_112, %add3A_115 : vector<16xi32>
    %swap3A_117 = arith.constant 160 : index
    %swap3A_118 = tpu.vector_load %arg5[%swap3A_117] {strides = array<i32>} : memref<1104xi32, #tpu.memory_space<vmem>>, vector<16xi32>,
    tpu.vector_store %arg5[%swap3A_117], %add3A_116 {strides = array<i32>} : memref<1104xi32, #tpu.memory_space<vmem>>, vector<16xi32>,
    %get3A_119 = arith.constant 176 : index
    %get3A_120 = tpu.vector_load %arg4[%get3A_119] {strides = array<i32>} : memref<1104xi32, #tpu.memory_space<vmem>>, vector<16xi32>,
    %mul3A_121 = arith.constant 576 : i32
    %mul3A_122 = arith.muli %select_n3A_9, %mul3A_121 : i32
    %add3A_123 = vector.broadcast %mul3A_122 : i32 to vector<16xi32>
    %add3A_124 = arith.addi %get3A_120, %add3A_123 : vector<16xi32>
    %swap3A_125 = arith.constant 176 : index
    %swap3A_126 = tpu.vector_load %arg5[%swap3A_125] {strides = array<i32>} : memref<1104xi32, #tpu.memory_space<vmem>>, vector<16xi32>,
    tpu.vector_store %arg5[%swap3A_125], %add3A_124 {strides = array<i32>} : memref<1104xi32, #tpu.memory_space<vmem>>, vector<16xi32>,
    %get3A_127 = arith.constant 192 : index
    %get3A_128 = tpu.vector_load %arg4[%get3A_127] {strides = array<i32>} : memref<1104xi32, #tpu.memory_space<vmem>>, vector<16xi32>,
    %mul3A_129 = arith.constant 576 : i32
    %mul3A_130 = arith.muli %select_n3A_9, %mul3A_129 : i32
    %add3A_131 = vector.broadcast %mul3A_130 : i32 to vector<16xi32>
    %add3A_132 = arith.addi %get3A_128, %add3A_131 : vector<16xi32>
    %swap3A_133 = arith.constant 192 : index
    %swap3A_134 = tpu.vector_load %arg5[%swap3A_133] {strides = array<i32>} : memref<1104xi32, #tpu.memory_space<vmem>>, vector<16xi32>,
    tpu.vector_store %arg5[%swap3A_133], %add3A_132 {strides = array<i32>} : memref<1104xi32, #tpu.memory_space<vmem>>, vector<16xi32>,
    %get3A_135 = arith.constant 208 : index
    %get3A_136 = tpu.vector_load %arg4[%get3A_135] {strides = array<i32>} : memref<1104xi32, #tpu.memory_space<vmem>>, vector<16xi32>,
    %mul3A_137 = arith.constant 576 : i32
    %mul3A_138 = arith.muli %select_n3A_9, %mul3A_137 : i32
    %add3A_139 = vector.broadcast %mul3A_138 : i32 to vector<16xi32>
    %add3A_140 = arith.addi %get3A_136, %add3A_139 : vector<16xi32>
    %swap3A_141 = arith.constant 208 : index
    %swap3A_142 = tpu.vector_load %arg5[%swap3A_141] {strides = array<i32>} : memref<1104xi32, #tpu.memory_space<vmem>>, vector<16xi32>,
    tpu.vector_store %arg5[%swap3A_141], %add3A_140 {strides = array<i32>} : memref<1104xi32, #tpu.memory_space<vmem>>, vector<16xi32>,
    %get3A_143 = arith.constant 224 : index
    %get3A_144 = tpu.vector_load %arg4[%get3A_143] {strides = array<i32>} : memref<1104xi32, #tpu.memory_space<vmem>>, vector<16xi32>,
    %mul3A_145 = arith.constant 576 : i32
    %mul3A_146 = arith.muli %select_n3A_9, %mul3A_145 : i32
    %add3A_147 = vector.broadcast %mul3A_146 : i32 to vector<16xi32>
    %add3A_148 = arith.addi %get3A_144, %add3A_147 : vector<16xi32>
    %swap3A_149 = arith.constant 224 : index
    %swap3A_150 = tpu.vector_load %arg5[%swap3A_149] {strides = array<i32>} : memref<1104xi32, #tpu.memory_space<vmem>>, vector<16xi32>,
    tpu.vector_store %arg5[%swap3A_149], %add3A_148 {strides = array<i32>} : memref<1104xi32, #tpu.memory_space<vmem>>, vector<16xi32>,
    %get3A_151 = arith.constant 240 : index
    %get3A_152 = tpu.vector_load %arg4[%get3A_151] {strides = array<i32>} : memref<1104xi32, #tpu.memory_space<vmem>>, vector<16xi32>,
    %mul3A_153 = arith.constant 576 : i32
    %mul3A_154 = arith.muli %select_n3A_9, %mul3A_153 : i32
    %add3A_155 = vector.broadcast %mul3A_154 : i32 to vector<16xi32>
    %add3A_156 = arith.addi %get3A_152, %add3A_155 : vector<16xi32>
    %swap3A_157 = arith.constant 240 : index
    %swap3A_158 = tpu.vector_load %arg5[%swap3A_157] {strides = array<i32>} : memref<1104xi32, #tpu.memory_space<vmem>>, vector<16xi32>,
    tpu.vector_store %arg5[%swap3A_157], %add3A_156 {strides = array<i32>} : memref<1104xi32, #tpu.memory_space<vmem>>, vector<16xi32>,
    %get3A_159 = arith.constant 256 : index
    %get3A_160 = tpu.vector_load %arg4[%get3A_159] {strides = array<i32>} : memref<1104xi32, #tpu.memory_space<vmem>>, vector<16xi32>,
    %mul3A_161 = arith.constant 576 : i32
    %mul3A_162 = arith.muli %select_n3A_9, %mul3A_161 : i32
    %add3A_163 = vector.broadcast %mul3A_162 : i32 to vector<16xi32>
    %add3A_164 = arith.addi %get3A_160, %add3A_163 : vector<16xi32>
    %swap3A_165 = arith.constant 256 : index
    %swap3A_166 = tpu.vector_load %arg5[%swap3A_165] {strides = array<i32>} : memref<1104xi32, #tpu.memory_space<vmem>>, vector<16xi32>,
    tpu.vector_store %arg5[%swap3A_165], %add3A_164 {strides = array<i32>} : memref<1104xi32, #tpu.memory_space<vmem>>, vector<16xi32>,
    %get3A_167 = arith.constant 272 : index
    %get3A_168 = tpu.vector_load %arg4[%get3A_167] {strides = array<i32>} : memref<1104xi32, #tpu.memory_space<vmem>>, vector<16xi32>,
    %mul3A_169 = arith.constant 576 : i32
    %mul3A_170 = arith.muli %select_n3A_9, %mul3A_169 : i32
    %add3A_171 = vector.broadcast %mul3A_170 : i32 to vector<16xi32>
    %add3A_172 = arith.addi %get3A_168, %add3A_171 : vector<16xi32>
    %swap3A_173 = arith.constant 272 : index
    %swap3A_174 = tpu.vector_load %arg5[%swap3A_173] {strides = array<i32>} : memref<1104xi32, #tpu.memory_space<vmem>>, vector<16xi32>,
    tpu.vector_store %arg5[%swap3A_173], %add3A_172 {strides = array<i32>} : memref<1104xi32, #tpu.memory_space<vmem>>, vector<16xi32>,
    %get3A_175 = arith.constant 288 : index
    %get3A_176 = tpu.vector_load %arg4[%get3A_175] {strides = array<i32>} : memref<1104xi32, #tpu.memory_space<vmem>>, vector<16xi32>,
    %mul3A_177 = arith.constant 576 : i32
    %mul3A_178 = arith.muli %select_n3A_9, %mul3A_177 : i32
    %add3A_179 = vector.broadcast %mul3A_178 : i32 to vector<16xi32>
    %add3A_180 = arith.addi %get3A_176, %add3A_179 : vector<16xi32>
    %swap3A_181 = arith.constant 288 : index
    %swap3A_182 = tpu.vector_load %arg5[%swap3A_181] {strides = array<i32>} : memref<1104xi32, #tpu.memory_space<vmem>>, vector<16xi32>,
    tpu.vector_store %arg5[%swap3A_181], %add3A_180 {strides = array<i32>} : memref<1104xi32, #tpu.memory_space<vmem>>, vector<16xi32>,
    %get3A_183 = arith.constant 304 : index
    %get3A_184 = tpu.vector_load %arg4[%get3A_183] {strides = array<i32>} : memref<1104xi32, #tpu.memory_space<vmem>>, vector<16xi32>,
    %mul3A_185 = arith.constant 576 : i32
    %mul3A_186 = arith.muli %select_n3A_9, %mul3A_185 : i32
    %add3A_187 = vector.broadcast %mul3A_186 : i32 to vector<16xi32>
    %add3A_188 = arith.addi %get3A_184, %add3A_187 : vector<16xi32>
    %swap3A_189 = arith.constant 304 : index
    %swap3A_190 = tpu.vector_load %arg5[%swap3A_189] {strides = array<i32>} : memref<1104xi32, #tpu.memory_space<vmem>>, vector<16xi32>,
    tpu.vector_store %arg5[%swap3A_189], %add3A_188 {strides = array<i32>} : memref<1104xi32, #tpu.memory_space<vmem>>, vector<16xi32>,
    %get3A_191 = arith.constant 320 : index
    %get3A_192 = tpu.vector_load %arg4[%get3A_191] {strides = array<i32>} : memref<1104xi32, #tpu.memory_space<vmem>>, vector<16xi32>,
    %mul3A_193 = arith.constant 576 : i32
    %mul3A_194 = arith.muli %select_n3A_9, %mul3A_193 : i32
    %add3A_195 = vector.broadcast %mul3A_194 : i32 to vector<16xi32>
    %add3A_196 = arith.addi %get3A_192, %add3A_195 : vector<16xi32>
    %swap3A_197 = arith.constant 320 : index
    %swap3A_198 = tpu.vector_load %arg5[%swap3A_197] {strides = array<i32>} : memref<1104xi32, #tpu.memory_space<vmem>>, vector<16xi32>,
    tpu.vector_store %arg5[%swap3A_197], %add3A_196 {strides = array<i32>} : memref<1104xi32, #tpu.memory_space<vmem>>, vector<16xi32>,
    %get3A_199 = arith.constant 336 : index
    %get3A_200 = tpu.vector_load %arg4[%get3A_199] {strides = array<i32>} : memref<1104xi32, #tpu.memory_space<vmem>>, vector<16xi32>,
    %mul3A_201 = arith.constant 576 : i32
    %mul3A_202 = arith.muli %select_n3A_9, %mul3A_201 : i32
    %add3A_203 = vector.broadcast %mul3A_202 : i32 to vector<16xi32>
    %add3A_204 = arith.addi %get3A_200, %add3A_203 : vector<16xi32>
    %swap3A_205 = arith.constant 336 : index
    %swap3A_206 = tpu.vector_load %arg5[%swap3A_205] {strides = array<i32>} : memref<1104xi32, #tpu.memory_space<vmem>>, vector<16xi32>,
    tpu.vector_store %arg5[%swap3A_205], %add3A_204 {strides = array<i32>} : memref<1104xi32, #tpu.memory_space<vmem>>, vector<16xi32>,
    %get3A_207 = arith.constant 352 : index
    %get3A_208 = tpu.vector_load %arg4[%get3A_207] {strides = array<i32>} : memref<1104xi32, #tpu.memory_space<vmem>>, vector<16xi32>,
    %mul3A_209 = arith.constant 576 : i32
    %mul3A_210 = arith.muli %select_n3A_9, %mul3A_209 : i32
    %add3A_211 = vector.broadcast %mul3A_210 : i32 to vector<16xi32>
    %add3A_212 = arith.addi %get3A_208, %add3A_211 : vector<16xi32>
    %swap3A_213 = arith.constant 352 : index
    %swap3A_214 = tpu.vector_load %arg5[%swap3A_213] {strides = array<i32>} : memref<1104xi32, #tpu.memory_space<vmem>>, vector<16xi32>,
    tpu.vector_store %arg5[%swap3A_213], %add3A_212 {strides = array<i32>} : memref<1104xi32, #tpu.memory_space<vmem>>, vector<16xi32>,
    %get3A_215 = arith.constant 368 : index
    %get3A_216 = tpu.vector_load %arg4[%get3A_215] {strides = array<i32>} : memref<1104xi32, #tpu.memory_space<vmem>>, vector<16xi32>,
    %mul3A_217 = arith.constant 576 : i32
    %mul3A_218 = arith.muli %select_n3A_9, %mul3A_217 : i32
    %add3A_219 = vector.broadcast %mul3A_218 : i32 to vector<16xi32>
    %add3A_220 = arith.addi %get3A_216, %add3A_219 : vector<16xi32>
    %swap3A_221 = arith.constant 368 : index
    %swap3A_222 = tpu.vector_load %arg5[%swap3A_221] {strides = array<i32>} : memref<1104xi32, #tpu.memory_space<vmem>>, vector<16xi32>,
    tpu.vector_store %arg5[%swap3A_221], %add3A_220 {strides = array<i32>} : memref<1104xi32, #tpu.memory_space<vmem>>, vector<16xi32>,
    %get3A_223 = arith.constant 384 : index
    %get3A_224 = tpu.vector_load %arg4[%get3A_223] {strides = array<i32>} : memref<1104xi32, #tpu.memory_space<vmem>>, vector<16xi32>,
    %mul3A_225 = arith.constant 576 : i32
    %mul3A_226 = arith.muli %select_n3A_9, %mul3A_225 : i32
    %add3A_227 = vector.broadcast %mul3A_226 : i32 to vector<16xi32>
    %add3A_228 = arith.addi %get3A_224, %add3A_227 : vector<16xi32>
    %swap3A_229 = arith.constant 384 : index
    %swap3A_230 = tpu.vector_load %arg5[%swap3A_229] {strides = array<i32>} : memref<1104xi32, #tpu.memory_space<vmem>>, vector<16xi32>,
    tpu.vector_store %arg5[%swap3A_229], %add3A_228 {strides = array<i32>} : memref<1104xi32, #tpu.memory_space<vmem>>, vector<16xi32>,
    %get3A_231 = arith.constant 400 : index
    %get3A_232 = tpu.vector_load %arg4[%get3A_231] {strides = array<i32>} : memref<1104xi32, #tpu.memory_space<vmem>>, vector<16xi32>,
    %mul3A_233 = arith.constant 576 : i32
    %mul3A_234 = arith.muli %select_n3A_9, %mul3A_233 : i32
    %add3A_235 = vector.broadcast %mul3A_234 : i32 to vector<16xi32>
    %add3A_236 = arith.addi %get3A_232, %add3A_235 : vector<16xi32>
    %swap3A_237 = arith.constant 400 : index
    %swap3A_238 = tpu.vector_load %arg5[%swap3A_237] {strides = array<i32>} : memref<1104xi32, #tpu.memory_space<vmem>>, vector<16xi32>,
    tpu.vector_store %arg5[%swap3A_237], %add3A_236 {strides = array<i32>} : memref<1104xi32, #tpu.memory_space<vmem>>, vector<16xi32>,
    %get3A_239 = arith.constant 416 : index
    %get3A_240 = tpu.vector_load %arg4[%get3A_239] {strides = array<i32>} : memref<1104xi32, #tpu.memory_space<vmem>>, vector<16xi32>,
    %mul3A_241 = arith.constant 576 : i32
    %mul3A_242 = arith.muli %select_n3A_9, %mul3A_241 : i32
    %add3A_243 = vector.broadcast %mul3A_242 : i32 to vector<16xi32>
    %add3A_244 = arith.addi %get3A_240, %add3A_243 : vector<16xi32>
    %swap3A_245 = arith.constant 416 : index
    %swap3A_246 = tpu.vector_load %arg5[%swap3A_245] {strides = array<i32>} : memref<1104xi32, #tpu.memory_space<vmem>>, vector<16xi32>,
    tpu.vector_store %arg5[%swap3A_245], %add3A_244 {strides = array<i32>} : memref<1104xi32, #tpu.memory_space<vmem>>, vector<16xi32>,
    %get3A_247 = arith.constant 432 : index
    %get3A_248 = tpu.vector_load %arg4[%get3A_247] {strides = array<i32>} : memref<1104xi32, #tpu.memory_space<vmem>>, vector<16xi32>,
    %mul3A_249 = arith.constant 576 : i32
    %mul3A_250 = arith.muli %select_n3A_9, %mul3A_249 : i32
    %add3A_251 = vector.broadcast %mul3A_250 : i32 to vector<16xi32>
    %add3A_252 = arith.addi %get3A_248, %add3A_251 : vector<16xi32>
    %swap3A_253 = arith.constant 432 : index
    %swap3A_254 = tpu.vector_load %arg5[%swap3A_253] {strides = array<i32>} : memref<1104xi32, #tpu.memory_space<vmem>>, vector<16xi32>,
    tpu.vector_store %arg5[%swap3A_253], %add3A_252 {strides = array<i32>} : memref<1104xi32, #tpu.memory_space<vmem>>, vector<16xi32>,
    %get3A_255 = arith.constant 448 : index
    %get3A_256 = tpu.vector_load %arg4[%get3A_255] {strides = array<i32>} : memref<1104xi32, #tpu.memory_space<vmem>>, vector<16xi32>,
    %mul3A_257 = arith.constant 576 : i32
    %mul3A_258 = arith.muli %select_n3A_9, %mul3A_257 : i32
    %add3A_259 = vector.broadcast %mul3A_258 : i32 to vector<16xi32>
    %add3A_260 = arith.addi %get3A_256, %add3A_259 : vector<16xi32>
    %swap3A_261 = arith.constant 448 : index
    %swap3A_262 = tpu.vector_load %arg5[%swap3A_261] {strides = array<i32>} : memref<1104xi32, #tpu.memory_space<vmem>>, vector<16xi32>,
    tpu.vector_store %arg5[%swap3A_261], %add3A_260 {strides = array<i32>} : memref<1104xi32, #tpu.memory_space<vmem>>, vector<16xi32>,
    %get3A_263 = arith.constant 464 : index
    %get3A_264 = tpu.vector_load %arg4[%get3A_263] {strides = array<i32>} : memref<1104xi32, #tpu.memory_space<vmem>>, vector<16xi32>,
    %mul3A_265 = arith.constant 576 : i32
    %mul3A_266 = arith.muli %select_n3A_9, %mul3A_265 : i32
    %add3A_267 = vector.broadcast %mul3A_266 : i32 to vector<16xi32>
    %add3A_268 = arith.addi %get3A_264, %add3A_267 : vector<16xi32>
    %swap3A_269 = arith.constant 464 : index
    %swap3A_270 = tpu.vector_load %arg5[%swap3A_269] {strides = array<i32>} : memref<1104xi32, #tpu.memory_space<vmem>>, vector<16xi32>,
    tpu.vector_store %arg5[%swap3A_269], %add3A_268 {strides = array<i32>} : memref<1104xi32, #tpu.memory_space<vmem>>, vector<16xi32>,
    %get3A_271 = arith.constant 480 : index
    %get3A_272 = tpu.vector_load %arg4[%get3A_271] {strides = array<i32>} : memref<1104xi32, #tpu.memory_space<vmem>>, vector<16xi32>,
    %mul3A_273 = arith.constant 576 : i32
    %mul3A_274 = arith.muli %select_n3A_9, %mul3A_273 : i32
    %add3A_275 = vector.broadcast %mul3A_274 : i32 to vector<16xi32>
    %add3A_276 = arith.addi %get3A_272, %add3A_275 : vector<16xi32>
    %swap3A_277 = arith.constant 480 : index
    %swap3A_278 = tpu.vector_load %arg5[%swap3A_277] {strides = array<i32>} : memref<1104xi32, #tpu.memory_space<vmem>>, vector<16xi32>,
    tpu.vector_store %arg5[%swap3A_277], %add3A_276 {strides = array<i32>} : memref<1104xi32, #tpu.memory_space<vmem>>, vector<16xi32>,
    %get3A_279 = arith.constant 496 : index
    %get3A_280 = tpu.vector_load %arg4[%get3A_279] {strides = array<i32>} : memref<1104xi32, #tpu.memory_space<vmem>>, vector<16xi32>,
    %mul3A_281 = arith.constant 576 : i32
    %mul3A_282 = arith.muli %select_n3A_9, %mul3A_281 : i32
    %add3A_283 = vector.broadcast %mul3A_282 : i32 to vector<16xi32>
    %add3A_284 = arith.addi %get3A_280, %add3A_283 : vector<16xi32>
    %swap3A_285 = arith.constant 496 : index
    %swap3A_286 = tpu.vector_load %arg5[%swap3A_285] {strides = array<i32>} : memref<1104xi32, #tpu.memory_space<vmem>>, vector<16xi32>,
    tpu.vector_store %arg5[%swap3A_285], %add3A_284 {strides = array<i32>} : memref<1104xi32, #tpu.memory_space<vmem>>, vector<16xi32>,
    %get3A_287 = arith.constant 512 : index
    %get3A_288 = tpu.vector_load %arg4[%get3A_287] {strides = array<i32>} : memref<1104xi32, #tpu.memory_space<vmem>>, vector<16xi32>,
    %mul3A_289 = arith.constant 576 : i32
    %mul3A_290 = arith.muli %select_n3A_9, %mul3A_289 : i32
    %add3A_291 = vector.broadcast %mul3A_290 : i32 to vector<16xi32>
    %add3A_292 = arith.addi %get3A_288, %add3A_291 : vector<16xi32>
    %swap3A_293 = arith.constant 512 : index
    %swap3A_294 = tpu.vector_load %arg5[%swap3A_293] {strides = array<i32>} : memref<1104xi32, #tpu.memory_space<vmem>>, vector<16xi32>,
    tpu.vector_store %arg5[%swap3A_293], %add3A_292 {strides = array<i32>} : memref<1104xi32, #tpu.memory_space<vmem>>, vector<16xi32>,
    %get3A_295 = arith.constant 528 : index
    %get3A_296 = tpu.vector_load %arg4[%get3A_295] {strides = array<i32>} : memref<1104xi32, #tpu.memory_space<vmem>>, vector<16xi32>,
    %mul3A_297 = arith.constant 576 : i32
    %mul3A_298 = arith.muli %select_n3A_9, %mul3A_297 : i32
    %add3A_299 = vector.broadcast %mul3A_298 : i32 to vector<16xi32>
    %add3A_300 = arith.addi %get3A_296, %add3A_299 : vector<16xi32>
    %swap3A_301 = arith.constant 528 : index
    %swap3A_302 = tpu.vector_load %arg5[%swap3A_301] {strides = array<i32>} : memref<1104xi32, #tpu.memory_space<vmem>>, vector<16xi32>,
    tpu.vector_store %arg5[%swap3A_301], %add3A_300 {strides = array<i32>} : memref<1104xi32, #tpu.memory_space<vmem>>, vector<16xi32>,
    %get3A_303 = arith.constant 544 : index
    %get3A_304 = tpu.vector_load %arg4[%get3A_303] {strides = array<i32>} : memref<1104xi32, #tpu.memory_space<vmem>>, vector<16xi32>,
    %mul3A_305 = arith.constant 576 : i32
    %mul3A_306 = arith.muli %select_n3A_9, %mul3A_305 : i32
    %add3A_307 = vector.broadcast %mul3A_306 : i32 to vector<16xi32>
    %add3A_308 = arith.addi %get3A_304, %add3A_307 : vector<16xi32>
    %swap3A_309 = arith.constant 544 : index
    %swap3A_310 = tpu.vector_load %arg5[%swap3A_309] {strides = array<i32>} : memref<1104xi32, #tpu.memory_space<vmem>>, vector<16xi32>,
    tpu.vector_store %arg5[%swap3A_309], %add3A_308 {strides = array<i32>} : memref<1104xi32, #tpu.memory_space<vmem>>, vector<16xi32>,
    %get3A_311 = arith.constant 560 : index
    %get3A_312 = tpu.vector_load %arg4[%get3A_311] {strides = array<i32>} : memref<1104xi32, #tpu.memory_space<vmem>>, vector<16xi32>,
    %mul3A_313 = arith.constant 576 : i32
    %mul3A_314 = arith.muli %select_n3A_9, %mul3A_313 : i32
    %add3A_315 = vector.broadcast %mul3A_314 : i32 to vector<16xi32>
    %add3A_316 = arith.addi %get3A_312, %add3A_315 : vector<16xi32>
    %swap3A_317 = arith.constant 560 : index
    %swap3A_318 = tpu.vector_load %arg5[%swap3A_317] {strides = array<i32>} : memref<1104xi32, #tpu.memory_space<vmem>>, vector<16xi32>,
    tpu.vector_store %arg5[%swap3A_317], %add3A_316 {strides = array<i32>} : memref<1104xi32, #tpu.memory_space<vmem>>, vector<16xi32>,
    %get3A_319 = arith.constant 576 : index
    %get3A_320 = tpu.vector_load %arg4[%get3A_319] {strides = array<i32>} : memref<1104xi32, #tpu.memory_space<vmem>>, vector<16xi32>,
    %mul3A_321 = arith.constant 576 : i32
    %mul3A_322 = arith.muli %select_n3A_9, %mul3A_321 : i32
    %add3A_323 = vector.broadcast %mul3A_322 : i32 to vector<16xi32>
    %add3A_324 = arith.addi %get3A_320, %add3A_323 : vector<16xi32>
    %swap3A_325 = arith.constant 576 : index
    %swap3A_326 = tpu.vector_load %arg5[%swap3A_325] {strides = array<i32>} : memref<1104xi32, #tpu.memory_space<vmem>>, vector<16xi32>,
    tpu.vector_store %arg5[%swap3A_325], %add3A_324 {strides = array<i32>} : memref<1104xi32, #tpu.memory_space<vmem>>, vector<16xi32>,
    %get3A_327 = arith.constant 592 : index
    %get3A_328 = tpu.vector_load %arg4[%get3A_327] {strides = array<i32>} : memref<1104xi32, #tpu.memory_space<vmem>>, vector<16xi32>,
    %mul3A_329 = arith.constant 576 : i32
    %mul3A_330 = arith.muli %select_n3A_9, %mul3A_329 : i32
    %add3A_331 = vector.broadcast %mul3A_330 : i32 to vector<16xi32>
    %add3A_332 = arith.addi %get3A_328, %add3A_331 : vector<16xi32>
    %swap3A_333 = arith.constant 592 : index
    %swap3A_334 = tpu.vector_load %arg5[%swap3A_333] {strides = array<i32>} : memref<1104xi32, #tpu.memory_space<vmem>>, vector<16xi32>,
    tpu.vector_store %arg5[%swap3A_333], %add3A_332 {strides = array<i32>} : memref<1104xi32, #tpu.memory_space<vmem>>, vector<16xi32>,
    %get3A_335 = arith.constant 608 : index
    %get3A_336 = tpu.vector_load %arg4[%get3A_335] {strides = array<i32>} : memref<1104xi32, #tpu.memory_space<vmem>>, vector<16xi32>,
    %mul3A_337 = arith.constant 576 : i32
    %mul3A_338 = arith.muli %select_n3A_9, %mul3A_337 : i32
    %add3A_339 = vector.broadcast %mul3A_338 : i32 to vector<16xi32>
    %add3A_340 = arith.addi %get3A_336, %add3A_339 : vector<16xi32>
    %swap3A_341 = arith.constant 608 : index
    %swap3A_342 = tpu.vector_load %arg5[%swap3A_341] {strides = array<i32>} : memref<1104xi32, #tpu.memory_space<vmem>>, vector<16xi32>,
    tpu.vector_store %arg5[%swap3A_341], %add3A_340 {strides = array<i32>} : memref<1104xi32, #tpu.memory_space<vmem>>, vector<16xi32>,
    %get3A_343 = arith.constant 624 : index
    %get3A_344 = tpu.vector_load %arg4[%get3A_343] {strides = array<i32>} : memref<1104xi32, #tpu.memory_space<vmem>>, vector<16xi32>,
    %mul3A_345 = arith.constant 576 : i32
    %mul3A_346 = arith.muli %select_n3A_9, %mul3A_345 : i32
    %add3A_347 = vector.broadcast %mul3A_346 : i32 to vector<16xi32>
    %add3A_348 = arith.addi %get3A_344, %add3A_347 : vector<16xi32>
    %swap3A_349 = arith.constant 624 : index
    %swap3A_350 = tpu.vector_load %arg5[%swap3A_349] {strides = array<i32>} : memref<1104xi32, #tpu.memory_space<vmem>>, vector<16xi32>,
    tpu.vector_store %arg5[%swap3A_349], %add3A_348 {strides = array<i32>} : memref<1104xi32, #tpu.memory_space<vmem>>, vector<16xi32>,
    %get3A_351 = arith.constant 640 : index
    %get3A_352 = tpu.vector_load %arg4[%get3A_351] {strides = array<i32>} : memref<1104xi32, #tpu.memory_space<vmem>>, vector<16xi32>,
    %mul3A_353 = arith.constant 576 : i32
    %mul3A_354 = arith.muli %select_n3A_9, %mul3A_353 : i32
    %add3A_355 = vector.broadcast %mul3A_354 : i32 to vector<16xi32>
    %add3A_356 = arith.addi %get3A_352, %add3A_355 : vector<16xi32>
    %swap3A_357 = arith.constant 640 : index
    %swap3A_358 = tpu.vector_load %arg5[%swap3A_357] {strides = array<i32>} : memref<1104xi32, #tpu.memory_space<vmem>>, vector<16xi32>,
    tpu.vector_store %arg5[%swap3A_357], %add3A_356 {strides = array<i32>} : memref<1104xi32, #tpu.memory_space<vmem>>, vector<16xi32>,
    %get3A_359 = arith.constant 656 : index
    %get3A_360 = tpu.vector_load %arg4[%get3A_359] {strides = array<i32>} : memref<1104xi32, #tpu.memory_space<vmem>>, vector<16xi32>,
    %mul3A_361 = arith.constant 576 : i32
    %mul3A_362 = arith.muli %select_n3A_9, %mul3A_361 : i32
    %add3A_363 = vector.broadcast %mul3A_362 : i32 to vector<16xi32>
    %add3A_364 = arith.addi %get3A_360, %add3A_363 : vector<16xi32>
    %swap3A_365 = arith.constant 656 : index
    %swap3A_366 = tpu.vector_load %arg5[%swap3A_365] {strides = array<i32>} : memref<1104xi32, #tpu.memory_space<vmem>>, vector<16xi32>,
    tpu.vector_store %arg5[%swap3A_365], %add3A_364 {strides = array<i32>} : memref<1104xi32, #tpu.memory_space<vmem>>, vector<16xi32>,
    %get3A_367 = arith.constant 672 : index
    %get3A_368 = tpu.vector_load %arg4[%get3A_367] {strides = array<i32>} : memref<1104xi32, #tpu.memory_space<vmem>>, vector<16xi32>,
    %mul3A_369 = arith.constant 576 : i32
    %mul3A_370 = arith.muli %select_n3A_9, %mul3A_369 : i32
    %add3A_371 = vector.broadcast %mul3A_370 : i32 to vector<16xi32>
    %add3A_372 = arith.addi %get3A_368, %add3A_371 : vector<16xi32>
    %swap3A_373 = arith.constant 672 : index
    %swap3A_374 = tpu.vector_load %arg5[%swap3A_373] {strides = array<i32>} : memref<1104xi32, #tpu.memory_space<vmem>>, vector<16xi32>,
    tpu.vector_store %arg5[%swap3A_373], %add3A_372 {strides = array<i32>} : memref<1104xi32, #tpu.memory_space<vmem>>, vector<16xi32>,
    %get3A_375 = arith.constant 688 : index
    %get3A_376 = tpu.vector_load %arg4[%get3A_375] {strides = array<i32>} : memref<1104xi32, #tpu.memory_space<vmem>>, vector<16xi32>,
    %mul3A_377 = arith.constant 576 : i32
    %mul3A_378 = arith.muli %select_n3A_9, %mul3A_377 : i32
    %add3A_379 = vector.broadcast %mul3A_378 : i32 to vector<16xi32>
    %add3A_380 = arith.addi %get3A_376, %add3A_379 : vector<16xi32>
    %swap3A_381 = arith.constant 688 : index
    %swap3A_382 = tpu.vector_load %arg5[%swap3A_381] {strides = array<i32>} : memref<1104xi32, #tpu.memory_space<vmem>>, vector<16xi32>,
    tpu.vector_store %arg5[%swap3A_381], %add3A_380 {strides = array<i32>} : memref<1104xi32, #tpu.memory_space<vmem>>, vector<16xi32>,
    %get3A_383 = arith.constant 704 : index
    %get3A_384 = tpu.vector_load %arg4[%get3A_383] {strides = array<i32>} : memref<1104xi32, #tpu.memory_space<vmem>>, vector<16xi32>,
    %mul3A_385 = arith.constant 576 : i32
    %mul3A_386 = arith.muli %select_n3A_9, %mul3A_385 : i32
    %add3A_387 = vector.broadcast %mul3A_386 : i32 to vector<16xi32>
    %add3A_388 = arith.addi %get3A_384, %add3A_387 : vector<16xi32>
    %swap3A_389 = arith.constant 704 : index
    %swap3A_390 = tpu.vector_load %arg5[%swap3A_389] {strides = array<i32>} : memref<1104xi32, #tpu.memory_space<vmem>>, vector<16xi32>,
    tpu.vector_store %arg5[%swap3A_389], %add3A_388 {strides = array<i32>} : memref<1104xi32, #tpu.memory_space<vmem>>, vector<16xi32>,
    %get3A_391 = arith.constant 720 : index
    %get3A_392 = tpu.vector_load %arg4[%get3A_391] {strides = array<i32>} : memref<1104xi32, #tpu.memory_space<vmem>>, vector<16xi32>,
    %mul3A_393 = arith.constant 576 : i32
    %mul3A_394 = arith.muli %select_n3A_9, %mul3A_393 : i32
    %add3A_395 = vector.broadcast %mul3A_394 : i32 to vector<16xi32>
    %add3A_396 = arith.addi %get3A_392, %add3A_395 : vector<16xi32>
    %swap3A_397 = arith.constant 720 : index
    %swap3A_398 = tpu.vector_load %arg5[%swap3A_397] {strides = array<i32>} : memref<1104xi32, #tpu.memory_space<vmem>>, vector<16xi32>,
    tpu.vector_store %arg5[%swap3A_397], %add3A_396 {strides = array<i32>} : memref<1104xi32, #tpu.memory_space<vmem>>, vector<16xi32>,
    %get3A_399 = arith.constant 736 : index
    %get3A_400 = tpu.vector_load %arg4[%get3A_399] {strides = array<i32>} : memref<1104xi32, #tpu.memory_space<vmem>>, vector<16xi32>,
    %mul3A_401 = arith.constant 576 : i32
    %mul3A_402 = arith.muli %select_n3A_9, %mul3A_401 : i32
    %add3A_403 = vector.broadcast %mul3A_402 : i32 to vector<16xi32>
    %add3A_404 = arith.addi %get3A_400, %add3A_403 : vector<16xi32>
    %swap3A_405 = arith.constant 736 : index
    %swap3A_406 = tpu.vector_load %arg5[%swap3A_405] {strides = array<i32>} : memref<1104xi32, #tpu.memory_space<vmem>>, vector<16xi32>,
    tpu.vector_store %arg5[%swap3A_405], %add3A_404 {strides = array<i32>} : memref<1104xi32, #tpu.memory_space<vmem>>, vector<16xi32>,
    %get3A_407 = arith.constant 752 : index
    %get3A_408 = tpu.vector_load %arg4[%get3A_407] {strides = array<i32>} : memref<1104xi32, #tpu.memory_space<vmem>>, vector<16xi32>,
    %mul3A_409 = arith.constant 576 : i32
    %mul3A_410 = arith.muli %select_n3A_9, %mul3A_409 : i32
    %add3A_411 = vector.broadcast %mul3A_410 : i32 to vector<16xi32>
    %add3A_412 = arith.addi %get3A_408, %add3A_411 : vector<16xi32>
    %swap3A_413 = arith.constant 752 : index
    %swap3A_414 = tpu.vector_load %arg5[%swap3A_413] {strides = array<i32>} : memref<1104xi32, #tpu.memory_space<vmem>>, vector<16xi32>,
    tpu.vector_store %arg5[%swap3A_413], %add3A_412 {strides = array<i32>} : memref<1104xi32, #tpu.memory_space<vmem>>, vector<16xi32>,
    %get3A_415 = arith.constant 768 : index
    %get3A_416 = tpu.vector_load %arg4[%get3A_415] {strides = array<i32>} : memref<1104xi32, #tpu.memory_space<vmem>>, vector<16xi32>,
    %mul3A_417 = arith.constant 576 : i32
    %mul3A_418 = arith.muli %select_n3A_9, %mul3A_417 : i32
    %add3A_419 = vector.broadcast %mul3A_418 : i32 to vector<16xi32>
    %add3A_420 = arith.addi %get3A_416, %add3A_419 : vector<16xi32>
    %swap3A_421 = arith.constant 768 : index
    %swap3A_422 = tpu.vector_load %arg5[%swap3A_421] {strides = array<i32>} : memref<1104xi32, #tpu.memory_space<vmem>>, vector<16xi32>,
    tpu.vector_store %arg5[%swap3A_421], %add3A_420 {strides = array<i32>} : memref<1104xi32, #tpu.memory_space<vmem>>, vector<16xi32>,
    %get3A_423 = arith.constant 784 : index
    %get3A_424 = tpu.vector_load %arg4[%get3A_423] {strides = array<i32>} : memref<1104xi32, #tpu.memory_space<vmem>>, vector<16xi32>,
    %mul3A_425 = arith.constant 576 : i32
    %mul3A_426 = arith.muli %select_n3A_9, %mul3A_425 : i32
    %add3A_427 = vector.broadcast %mul3A_426 : i32 to vector<16xi32>
    %add3A_428 = arith.addi %get3A_424, %add3A_427 : vector<16xi32>
    %swap3A_429 = arith.constant 784 : index
    %swap3A_430 = tpu.vector_load %arg5[%swap3A_429] {strides = array<i32>} : memref<1104xi32, #tpu.memory_space<vmem>>, vector<16xi32>,
    tpu.vector_store %arg5[%swap3A_429], %add3A_428 {strides = array<i32>} : memref<1104xi32, #tpu.memory_space<vmem>>, vector<16xi32>,
    %get3A_431 = arith.constant 800 : index
    %get3A_432 = tpu.vector_load %arg4[%get3A_431] {strides = array<i32>} : memref<1104xi32, #tpu.memory_space<vmem>>, vector<16xi32>,
    %mul3A_433 = arith.constant 576 : i32
    %mul3A_434 = arith.muli %select_n3A_9, %mul3A_433 : i32
    %add3A_435 = vector.broadcast %mul3A_434 : i32 to vector<16xi32>
    %add3A_436 = arith.addi %get3A_432, %add3A_435 : vector<16xi32>
    %swap3A_437 = arith.constant 800 : index
    %swap3A_438 = tpu.vector_load %arg5[%swap3A_437] {strides = array<i32>} : memref<1104xi32, #tpu.memory_space<vmem>>, vector<16xi32>,
    tpu.vector_store %arg5[%swap3A_437], %add3A_436 {strides = array<i32>} : memref<1104xi32, #tpu.memory_space<vmem>>, vector<16xi32>,
    %get3A_439 = arith.constant 816 : index
    %get3A_440 = tpu.vector_load %arg4[%get3A_439] {strides = array<i32>} : memref<1104xi32, #tpu.memory_space<vmem>>, vector<16xi32>,
    %mul3A_441 = arith.constant 576 : i32
    %mul3A_442 = arith.muli %select_n3A_9, %mul3A_441 : i32
    %add3A_443 = vector.broadcast %mul3A_442 : i32 to vector<16xi32>
    %add3A_444 = arith.addi %get3A_440, %add3A_443 : vector<16xi32>
    %swap3A_445 = arith.constant 816 : index
    %swap3A_446 = tpu.vector_load %arg5[%swap3A_445] {strides = array<i32>} : memref<1104xi32, #tpu.memory_space<vmem>>, vector<16xi32>,
    tpu.vector_store %arg5[%swap3A_445], %add3A_444 {strides = array<i32>} : memref<1104xi32, #tpu.memory_space<vmem>>, vector<16xi32>,
    %get3A_447 = arith.constant 832 : index
    %get3A_448 = tpu.vector_load %arg4[%get3A_447] {strides = array<i32>} : memref<1104xi32, #tpu.memory_space<vmem>>, vector<16xi32>,
    %mul3A_449 = arith.constant 576 : i32
    %mul3A_450 = arith.muli %select_n3A_9, %mul3A_449 : i32
    %add3A_451 = vector.broadcast %mul3A_450 : i32 to vector<16xi32>
    %add3A_452 = arith.addi %get3A_448, %add3A_451 : vector<16xi32>
    %swap3A_453 = arith.constant 832 : index
    %swap3A_454 = tpu.vector_load %arg5[%swap3A_453] {strides = array<i32>} : memref<1104xi32, #tpu.memory_space<vmem>>, vector<16xi32>,
    tpu.vector_store %arg5[%swap3A_453], %add3A_452 {strides = array<i32>} : memref<1104xi32, #tpu.memory_space<vmem>>, vector<16xi32>,
    %get3A_455 = arith.constant 848 : index
    %get3A_456 = tpu.vector_load %arg4[%get3A_455] {strides = array<i32>} : memref<1104xi32, #tpu.memory_space<vmem>>, vector<16xi32>,
    %mul3A_457 = arith.constant 576 : i32
    %mul3A_458 = arith.muli %select_n3A_9, %mul3A_457 : i32
    %add3A_459 = vector.broadcast %mul3A_458 : i32 to vector<16xi32>
    %add3A_460 = arith.addi %get3A_456, %add3A_459 : vector<16xi32>
    %swap3A_461 = arith.constant 848 : index
    %swap3A_462 = tpu.vector_load %arg5[%swap3A_461] {strides = array<i32>} : memref<1104xi32, #tpu.memory_space<vmem>>, vector<16xi32>,
    tpu.vector_store %arg5[%swap3A_461], %add3A_460 {strides = array<i32>} : memref<1104xi32, #tpu.memory_space<vmem>>, vector<16xi32>,
    %get3A_463 = arith.constant 864 : index
    %get3A_464 = tpu.vector_load %arg4[%get3A_463] {strides = array<i32>} : memref<1104xi32, #tpu.memory_space<vmem>>, vector<16xi32>,
    %mul3A_465 = arith.constant 576 : i32
    %mul3A_466 = arith.muli %select_n3A_9, %mul3A_465 : i32
    %add3A_467 = vector.broadcast %mul3A_466 : i32 to vector<16xi32>
    %add3A_468 = arith.addi %get3A_464, %add3A_467 : vector<16xi32>
    %swap3A_469 = arith.constant 864 : index
    %swap3A_470 = tpu.vector_load %arg5[%swap3A_469] {strides = array<i32>} : memref<1104xi32, #tpu.memory_space<vmem>>, vector<16xi32>,
    tpu.vector_store %arg5[%swap3A_469], %add3A_468 {strides = array<i32>} : memref<1104xi32, #tpu.memory_space<vmem>>, vector<16xi32>,
    %get3A_471 = arith.constant 880 : index
    %get3A_472 = tpu.vector_load %arg4[%get3A_471] {strides = array<i32>} : memref<1104xi32, #tpu.memory_space<vmem>>, vector<16xi32>,
    %mul3A_473 = arith.constant 576 : i32
    %mul3A_474 = arith.muli %select_n3A_9, %mul3A_473 : i32
    %add3A_475 = vector.broadcast %mul3A_474 : i32 to vector<16xi32>
    %add3A_476 = arith.addi %get3A_472, %add3A_475 : vector<16xi32>
    %swap3A_477 = arith.constant 880 : index
    %swap3A_478 = tpu.vector_load %arg5[%swap3A_477] {strides = array<i32>} : memref<1104xi32, #tpu.memory_space<vmem>>, vector<16xi32>,
    tpu.vector_store %arg5[%swap3A_477], %add3A_476 {strides = array<i32>} : memref<1104xi32, #tpu.memory_space<vmem>>, vector<16xi32>,
    %get3A_479 = arith.constant 896 : index
    %get3A_480 = tpu.vector_load %arg4[%get3A_479] {strides = array<i32>} : memref<1104xi32, #tpu.memory_space<vmem>>, vector<16xi32>,
    %mul3A_481 = arith.constant 576 : i32
    %mul3A_482 = arith.muli %select_n3A_9, %mul3A_481 : i32
    %add3A_483 = vector.broadcast %mul3A_482 : i32 to vector<16xi32>
    %add3A_484 = arith.addi %get3A_480, %add3A_483 : vector<16xi32>
    %swap3A_485 = arith.constant 896 : index
    %swap3A_486 = tpu.vector_load %arg5[%swap3A_485] {strides = array<i32>} : memref<1104xi32, #tpu.memory_space<vmem>>, vector<16xi32>,
    tpu.vector_store %arg5[%swap3A_485], %add3A_484 {strides = array<i32>} : memref<1104xi32, #tpu.memory_space<vmem>>, vector<16xi32>,
    %get3A_487 = arith.constant 912 : index
    %get3A_488 = tpu.vector_load %arg4[%get3A_487] {strides = array<i32>} : memref<1104xi32, #tpu.memory_space<vmem>>, vector<16xi32>,
    %mul3A_489 = arith.constant 576 : i32
    %mul3A_490 = arith.muli %select_n3A_9, %mul3A_489 : i32
    %add3A_491 = vector.broadcast %mul3A_490 : i32 to vector<16xi32>
    %add3A_492 = arith.addi %get3A_488, %add3A_491 : vector<16xi32>
    %swap3A_493 = arith.constant 912 : index
    %swap3A_494 = tpu.vector_load %arg5[%swap3A_493] {strides = array<i32>} : memref<1104xi32, #tpu.memory_space<vmem>>, vector<16xi32>,
    tpu.vector_store %arg5[%swap3A_493], %add3A_492 {strides = array<i32>} : memref<1104xi32, #tpu.memory_space<vmem>>, vector<16xi32>,
    %get3A_495 = arith.constant 928 : index
    %get3A_496 = tpu.vector_load %arg4[%get3A_495] {strides = array<i32>} : memref<1104xi32, #tpu.memory_space<vmem>>, vector<16xi32>,
    %mul3A_497 = arith.constant 576 : i32
    %mul3A_498 = arith.muli %select_n3A_9, %mul3A_497 : i32
    %add3A_499 = vector.broadcast %mul3A_498 : i32 to vector<16xi32>
    %add3A_500 = arith.addi %get3A_496, %add3A_499 : vector<16xi32>
    %swap3A_501 = arith.constant 928 : index
    %swap3A_502 = tpu.vector_load %arg5[%swap3A_501] {strides = array<i32>} : memref<1104xi32, #tpu.memory_space<vmem>>, vector<16xi32>,
    tpu.vector_store %arg5[%swap3A_501], %add3A_500 {strides = array<i32>} : memref<1104xi32, #tpu.memory_space<vmem>>, vector<16xi32>,
    %get3A_503 = arith.constant 944 : index
    %get3A_504 = tpu.vector_load %arg4[%get3A_503] {strides = array<i32>} : memref<1104xi32, #tpu.memory_space<vmem>>, vector<16xi32>,
    %mul3A_505 = arith.constant 576 : i32
    %mul3A_506 = arith.muli %select_n3A_9, %mul3A_505 : i32
    %add3A_507 = vector.broadcast %mul3A_506 : i32 to vector<16xi32>
    %add3A_508 = arith.addi %get3A_504, %add3A_507 : vector<16xi32>
    %swap3A_509 = arith.constant 944 : index
    %swap3A_510 = tpu.vector_load %arg5[%swap3A_509] {strides = array<i32>} : memref<1104xi32, #tpu.memory_space<vmem>>, vector<16xi32>,
    tpu.vector_store %arg5[%swap3A_509], %add3A_508 {strides = array<i32>} : memref<1104xi32, #tpu.memory_space<vmem>>, vector<16xi32>,
    %get3A_511 = arith.constant 960 : index
    %get3A_512 = tpu.vector_load %arg4[%get3A_511] {strides = array<i32>} : memref<1104xi32, #tpu.memory_space<vmem>>, vector<16xi32>,
    %mul3A_513 = arith.constant 576 : i32
    %mul3A_514 = arith.muli %select_n3A_9, %mul3A_513 : i32
    %add3A_515 = vector.broadcast %mul3A_514 : i32 to vector<16xi32>
    %add3A_516 = arith.addi %get3A_512, %add3A_515 : vector<16xi32>
    %swap3A_517 = arith.constant 960 : index
    %swap3A_518 = tpu.vector_load %arg5[%swap3A_517] {strides = array<i32>} : memref<1104xi32, #tpu.memory_space<vmem>>, vector<16xi32>,
    tpu.vector_store %arg5[%swap3A_517], %add3A_516 {strides = array<i32>} : memref<1104xi32, #tpu.memory_space<vmem>>, vector<16xi32>,
    %get3A_519 = arith.constant 976 : index
    %get3A_520 = tpu.vector_load %arg4[%get3A_519] {strides = array<i32>} : memref<1104xi32, #tpu.memory_space<vmem>>, vector<16xi32>,
    %mul3A_521 = arith.constant 576 : i32
    %mul3A_522 = arith.muli %select_n3A_9, %mul3A_521 : i32
    %add3A_523 = vector.broadcast %mul3A_522 : i32 to vector<16xi32>
    %add3A_524 = arith.addi %get3A_520, %add3A_523 : vector<16xi32>
    %swap3A_525 = arith.constant 976 : index
    %swap3A_526 = tpu.vector_load %arg5[%swap3A_525] {strides = array<i32>} : memref<1104xi32, #tpu.memory_space<vmem>>, vector<16xi32>,
    tpu.vector_store %arg5[%swap3A_525], %add3A_524 {strides = array<i32>} : memref<1104xi32, #tpu.memory_space<vmem>>, vector<16xi32>,
    %get3A_527 = arith.constant 992 : index
    %get3A_528 = tpu.vector_load %arg4[%get3A_527] {strides = array<i32>} : memref<1104xi32, #tpu.memory_space<vmem>>, vector<16xi32>,
    %mul3A_529 = arith.constant 576 : i32
    %mul3A_530 = arith.muli %select_n3A_9, %mul3A_529 : i32
    %add3A_531 = vector.broadcast %mul3A_530 : i32 to vector<16xi32>
    %add3A_532 = arith.addi %get3A_528, %add3A_531 : vector<16xi32>
    %swap3A_533 = arith.constant 992 : index
    %swap3A_534 = tpu.vector_load %arg5[%swap3A_533] {strides = array<i32>} : memref<1104xi32, #tpu.memory_space<vmem>>, vector<16xi32>,
    tpu.vector_store %arg5[%swap3A_533], %add3A_532 {strides = array<i32>} : memref<1104xi32, #tpu.memory_space<vmem>>, vector<16xi32>,
    %get3A_535 = arith.constant 1008 : index
    %get3A_536 = tpu.vector_load %arg4[%get3A_535] {strides = array<i32>} : memref<1104xi32, #tpu.memory_space<vmem>>, vector<16xi32>,
    %mul3A_537 = arith.constant 576 : i32
    %mul3A_538 = arith.muli %select_n3A_9, %mul3A_537 : i32
    %add3A_539 = vector.broadcast %mul3A_538 : i32 to vector<16xi32>
    %add3A_540 = arith.addi %get3A_536, %add3A_539 : vector<16xi32>
    %swap3A_541 = arith.constant 1008 : index
    %swap3A_542 = tpu.vector_load %arg5[%swap3A_541] {strides = array<i32>} : memref<1104xi32, #tpu.memory_space<vmem>>, vector<16xi32>,
    tpu.vector_store %arg5[%swap3A_541], %add3A_540 {strides = array<i32>} : memref<1104xi32, #tpu.memory_space<vmem>>, vector<16xi32>,
    %get3A_543 = arith.constant 1024 : index
    %get3A_544 = tpu.vector_load %arg4[%get3A_543] {strides = array<i32>} : memref<1104xi32, #tpu.memory_space<vmem>>, vector<16xi32>,
    %mul3A_545 = arith.constant 576 : i32
    %mul3A_546 = arith.muli %select_n3A_9, %mul3A_545 : i32
    %add3A_547 = vector.broadcast %mul3A_546 : i32 to vector<16xi32>
    %add3A_548 = arith.addi %get3A_544, %add3A_547 : vector<16xi32>
    %swap3A_549 = arith.constant 1024 : index
    %swap3A_550 = tpu.vector_load %arg5[%swap3A_549] {strides = array<i32>} : memref<1104xi32, #tpu.memory_space<vmem>>, vector<16xi32>,
    tpu.vector_store %arg5[%swap3A_549], %add3A_548 {strides = array<i32>} : memref<1104xi32, #tpu.memory_space<vmem>>, vector<16xi32>,
    %get3A_551 = arith.constant 1040 : index
    %get3A_552 = tpu.vector_load %arg4[%get3A_551] {strides = array<i32>} : memref<1104xi32, #tpu.memory_space<vmem>>, vector<16xi32>,
    %mul3A_553 = arith.constant 576 : i32
    %mul3A_554 = arith.muli %select_n3A_9, %mul3A_553 : i32
    %add3A_555 = vector.broadcast %mul3A_554 : i32 to vector<16xi32>
    %add3A_556 = arith.addi %get3A_552, %add3A_555 : vector<16xi32>
    %swap3A_557 = arith.constant 1040 : index
    %swap3A_558 = tpu.vector_load %arg5[%swap3A_557] {strides = array<i32>} : memref<1104xi32, #tpu.memory_space<vmem>>, vector<16xi32>,
    tpu.vector_store %arg5[%swap3A_557], %add3A_556 {strides = array<i32>} : memref<1104xi32, #tpu.memory_space<vmem>>, vector<16xi32>,
    %get3A_559 = arith.constant 1056 : index
    %get3A_560 = tpu.vector_load %arg4[%get3A_559] {strides = array<i32>} : memref<1104xi32, #tpu.memory_space<vmem>>, vector<16xi32>,
    %mul3A_561 = arith.constant 576 : i32
    %mul3A_562 = arith.muli %select_n3A_9, %mul3A_561 : i32
    %add3A_563 = vector.broadcast %mul3A_562 : i32 to vector<16xi32>
    %add3A_564 = arith.addi %get3A_560, %add3A_563 : vector<16xi32>
    %swap3A_565 = arith.constant 1056 : index
    %swap3A_566 = tpu.vector_load %arg5[%swap3A_565] {strides = array<i32>} : memref<1104xi32, #tpu.memory_space<vmem>>, vector<16xi32>,
    tpu.vector_store %arg5[%swap3A_565], %add3A_564 {strides = array<i32>} : memref<1104xi32, #tpu.memory_space<vmem>>, vector<16xi32>,
    %get3A_567 = arith.constant 1072 : index
    %get3A_568 = tpu.vector_load %arg4[%get3A_567] {strides = array<i32>} : memref<1104xi32, #tpu.memory_space<vmem>>, vector<16xi32>,
    %mul3A_569 = arith.constant 576 : i32
    %mul3A_570 = arith.muli %select_n3A_9, %mul3A_569 : i32
    %add3A_571 = vector.broadcast %mul3A_570 : i32 to vector<16xi32>
    %add3A_572 = arith.addi %get3A_568, %add3A_571 : vector<16xi32>
    %swap3A_573 = arith.constant 1072 : index
    %swap3A_574 = tpu.vector_load %arg5[%swap3A_573] {strides = array<i32>} : memref<1104xi32, #tpu.memory_space<vmem>>, vector<16xi32>,
    tpu.vector_store %arg5[%swap3A_573], %add3A_572 {strides = array<i32>} : memref<1104xi32, #tpu.memory_space<vmem>>, vector<16xi32>,
    %get3A_575 = arith.constant 1088 : index
    %get3A_576 = tpu.vector_load %arg4[%get3A_575] {strides = array<i32>} : memref<1104xi32, #tpu.memory_space<vmem>>, vector<16xi32>,
    %mul3A_577 = arith.constant 576 : i32
    %mul3A_578 = arith.muli %select_n3A_9, %mul3A_577 : i32
    %add3A_579 = vector.broadcast %mul3A_578 : i32 to vector<16xi32>
    %add3A_580 = arith.addi %get3A_576, %add3A_579 : vector<16xi32>
    %swap3A_581 = arith.constant 1088 : index
    %swap3A_582 = tpu.vector_load %arg5[%swap3A_581] {strides = array<i32>} : memref<1104xi32, #tpu.memory_space<vmem>>, vector<16xi32>,
    tpu.vector_store %arg5[%swap3A_581], %add3A_580 {strides = array<i32>} : memref<1104xi32, #tpu.memory_space<vmem>>, vector<16xi32>,
    %mul3A_583 = arith.constant 16 : i32
    %mul3A_584 = arith.muli %select_n3A_30, %mul3A_583 : i32
    %mul3A_585 = arith.constant 1104 : i32
    %mul3A_586 = arith.muli %mul3A_584, %mul3A_585 : i32
    %mul3A_587 = arith.constant 1104 : i32
    %mul3A_588 = arith.muli %select_n3A_9, %mul3A_587 : i32
    %add3A_589 = arith.addi %mul3A_586, %mul3A_588 : i32
    "tpu.region"() ({
      %run_scoped3A = tpu.sem_alloc : memref<!tpu.dma_semaphore, #tpu.memory_space<semaphore_mem>>
      %dma_start3A = tpu.memref_slice %arg3[%add3A_589] : memref<35328xi32, #tpu.memory_space<hbm>> -> memref<1104xi32, #tpu.memory_space<hbm>>
      %dma_start3A_590 = tpu.memref_slice %arg3[%add3A_589] : memref<35328xi32, #tpu.memory_space<hbm>> -> memref<1104xi32, #tpu.memory_space<hbm>>
      tpu.enqueue_dma source(%arg5 : memref<1104xi32, #tpu.memory_space<vmem>>) target(%dma_start3A_590 : memref<1104xi32, #tpu.memory_space<hbm>>) target_semaphore(%run_scoped3A : memref<!tpu.dma_semaphore, #tpu.memory_space<semaphore_mem>>)
      %dma_wait3A = tpu.memref_slice %arg3[%add3A_589] : memref<35328xi32, #tpu.memory_space<hbm>> -> memref<1104xi32, #tpu.memory_space<hbm>>
      %dma_wait3A_591 = tpu.memref_slice %arg3[%add3A_589] : memref<35328xi32, #tpu.memory_space<hbm>> -> memref<1104xi32, #tpu.memory_space<hbm>>
      tpu.wait_dma2 semaphore(%run_scoped3A : memref<!tpu.dma_semaphore, #tpu.memory_space<semaphore_mem>>) src(%arg5 : memref<1104xi32, #tpu.memory_space<vmem>>) dst(%dma_wait3A_591 : memref<1104xi32, #tpu.memory_space<hbm>>)
      tpu.yield
    }) : () -> ()
    return
  }
}

module attributes {stable_mosaic.version = 14 : i64} {
  func.func @_tc_body(%arg0: i32, %arg1: memref<1x576x768xf32, #tpu.memory_space<vmem>>, %arg2: memref<1x576x768xf32, #tpu.memory_space<vmem>>, %arg3: memref<768x2xf32, #tpu.memory_space<vmem>>, %arg4: memref<768x2xf32, #tpu.memory_space<vmem>>, %arg5: memref<2x1xf32, #tpu.memory_space<vmem>>, %arg6: memref<2x1104xi32, #tpu.memory_space<vmem>>, %arg7: memref<1x576x1536xf32, #tpu.memory_space<vmem>>, %arg8: memref<1x1x1104xf32, #tpu.memory_space<vmem>>, %arg9: memref<576x1104xf32, #tpu.memory_space<vmem>>) attributes {dimension_semantics = [#tpu.dimension_semantics<arbitrary>], iteration_bounds = array<i64: 16>, scalar_prefetch = 0 : i64, scratch_operands = 1 : i64, tpu.core_type = #tpu.core_type<tc>, window_params = [{transform_indices = @transform_0, window_bounds = array<i64: 1, 576, 768>}, {transform_indices = @transform_1, window_bounds = array<i64: 1, 576, 768>}, {pipeline_mode = #tpu.pipeline_mode<synchronous>, transform_indices = @transform_2, window_bounds = array<i64: 768, 2>}, {pipeline_mode = #tpu.pipeline_mode<synchronous>, transform_indices = @transform_3, window_bounds = array<i64: 768, 2>}, {pipeline_mode = #tpu.pipeline_mode<synchronous>, transform_indices = @transform_4, window_bounds = array<i64: 2, 1>}, {pipeline_mode = #tpu.pipeline_mode<synchronous>, transform_indices = @transform_5, window_bounds = array<i64: 2, 1104>}, {transform_indices = @transform_6, window_bounds = array<i64: 1, 576, 1536>}, {transform_indices = @transform_7, window_bounds = array<i64: 1, 1, 1104>}]} {
    %eq3A = arith.constant 0 : i32
    %eq3A_0 = arith.cmpi eq, %arg0, %eq3A : i32
    %convert_element_type3A = arith.extui %eq3A_0 : i1 to i32
    %cond3A = arith.constant 0 : i32
    %cond3A_1 = arith.cmpi ne, %convert_element_type3A, %cond3A : i32
    scf.if %cond3A_1 {
      %iota3A = tpu.iota {dimensions = array<i32: 0>} : vector<576x1104xi32>
      %get3A_63 = arith.constant 0 : index
      %get3A_64 = arith.constant 0 : index
      %get3A_65 = vector.load %arg6[%get3A_63, %get3A_64] : memref<2x1104xi32, #tpu.memory_space<vmem>>, vector<1x1104xi32>
      %get3A_66 = arith.constant 1 : index
      %get3A_67 = arith.constant 0 : index
      %get3A_68 = vector.load %arg6[%get3A_66, %get3A_67] : memref<2x1104xi32, #tpu.memory_space<vmem>>, vector<1x1104xi32>
      %eq3A_69 = vector.broadcast %get3A_65 : vector<1x1104xi32> to vector<576x1104xi32>
      %eq3A_70 = arith.cmpi eq, %iota3A, %eq3A_69 : vector<576x1104xi32>
      %convert_element_type3A_71 = arith.extui %eq3A_70 : vector<576x1104xi1> to vector<576x1104xi32>
      %convert_element_type3A_72 = arith.sitofp %convert_element_type3A_71 : vector<576x1104xi32> to vector<576x1104xf32>
      %eq3A_73 = vector.broadcast %get3A_68 : vector<1x1104xi32> to vector<576x1104xi32>
      %eq3A_74 = arith.cmpi eq, %iota3A, %eq3A_73 : vector<576x1104xi32>
      %convert_element_type3A_75 = arith.extui %eq3A_74 : vector<576x1104xi1> to vector<576x1104xi32>
      %convert_element_type3A_76 = arith.sitofp %convert_element_type3A_75 : vector<576x1104xi32> to vector<576x1104xf32>
      %sub3A = arith.subf %convert_element_type3A_72, %convert_element_type3A_76 : vector<576x1104xf32>
      %swap3A_77 = arith.constant 0 : index
      %swap3A_78 = arith.constant 0 : index
      %swap3A_79 = vector.load %arg9[%swap3A_77, %swap3A_78] : memref<576x1104xf32, #tpu.memory_space<vmem>>, vector<576x1104xf32>
      tpu.vector_store %arg9[%swap3A_77, %swap3A_78], %sub3A {strides = array<i32>} : memref<576x1104xf32, #tpu.memory_space<vmem>>, vector<576x1104xf32>,
    } else {
    }
    %get3A = arith.constant 0 : index
    %get3A_2 = arith.constant 0 : index
    %get3A_3 = arith.constant 0 : index
    %get3A_4 = vector.load %arg1[%get3A, %get3A_2, %get3A_3] : memref<1x576x768xf32, #tpu.memory_space<vmem>>, vector<1x576x768xf32>
    %get3A_5 = vector.shape_cast %get3A_4 : vector<1x576x768xf32> to vector<576x768xf32>
    %get3A_6 = arith.constant 0 : index
    %get3A_7 = arith.constant 0 : index
    %get3A_8 = arith.constant 0 : index
    %get3A_9 = vector.load %arg2[%get3A_6, %get3A_7, %get3A_8] : memref<1x576x768xf32, #tpu.memory_space<vmem>>, vector<1x576x768xf32>
    %get3A_10 = vector.shape_cast %get3A_9 : vector<1x576x768xf32> to vector<576x768xf32>
    %swap3A = arith.constant 0 : index
    %swap3A_11 = arith.constant 0 : index
    %swap3A_12 = arith.constant 0 : index
    %swap3A_13 = vector.load %arg7[%swap3A, %swap3A_11, %swap3A_12] : memref<1x576x1536xf32, #tpu.memory_space<vmem>>, vector<1x576x768xf32>
    %swap3A_14 = vector.shape_cast %swap3A_13 : vector<1x576x768xf32> to vector<576x768xf32>
    %swap3A_15 = vector.shape_cast %get3A_5 : vector<576x768xf32> to vector<1x576x768xf32>
    tpu.vector_store %arg7[%swap3A, %swap3A_11, %swap3A_12], %swap3A_15 {strides = array<i32>} : memref<1x576x1536xf32, #tpu.memory_space<vmem>>, vector<1x576x768xf32>,
    %swap3A_16 = arith.constant 0 : index
    %swap3A_17 = arith.constant 0 : index
    %swap3A_18 = arith.constant 768 : index
    %swap3A_19 = vector.load %arg7[%swap3A_16, %swap3A_17, %swap3A_18] : memref<1x576x1536xf32, #tpu.memory_space<vmem>>, vector<1x576x768xf32>
    %swap3A_20 = vector.shape_cast %swap3A_19 : vector<1x576x768xf32> to vector<576x768xf32>
    %swap3A_21 = vector.shape_cast %get3A_10 : vector<576x768xf32> to vector<1x576x768xf32>
    tpu.vector_store %arg7[%swap3A_16, %swap3A_17, %swap3A_18], %swap3A_21 {strides = array<i32>} : memref<1x576x1536xf32, #tpu.memory_space<vmem>>, vector<1x576x768xf32>,
    %get3A_22 = arith.constant 0 : index
    %get3A_23 = arith.constant 0 : index
    %get3A_24 = vector.load %arg3[%get3A_22, %get3A_23] : memref<768x2xf32, #tpu.memory_space<vmem>>, vector<768x2xf32>
    %dot_general3A = arith.constant dense<0.000000e+00> : vector<2x576xf32>
    %dot_general3A_25 = tpu.matmul %get3A_24, %get3A_5, %dot_general3A {dimension_numbers = #tpu.dot_dimension_numbers<[0], [1], [1], [0], [0, 1, 1, 0], [], []>, transpose_lhs_hint = false} : vector<768x2xf32>, vector<576x768xf32>, vector<2x576xf32> -> vector<2x576xf32>
    %get3A_26 = arith.constant 0 : index
    %get3A_27 = arith.constant 0 : index
    %get3A_28 = vector.load %arg4[%get3A_26, %get3A_27] : memref<768x2xf32, #tpu.memory_space<vmem>>, vector<768x2xf32>
    %dot_general3A_29 = arith.constant dense<0.000000e+00> : vector<2x576xf32>
    %dot_general3A_30 = tpu.matmul %get3A_28, %get3A_10, %dot_general3A_29 {dimension_numbers = #tpu.dot_dimension_numbers<[0], [1], [1], [0], [0, 1, 1, 0], [], []>, transpose_lhs_hint = false} : vector<768x2xf32>, vector<576x768xf32>, vector<2x576xf32> -> vector<2x576xf32>
    %add3A = arith.addf %dot_general3A_25, %dot_general3A_30 : vector<2x576xf32>
    %get3A_31 = arith.constant 0 : index
    %get3A_32 = arith.constant 0 : index
    %get3A_33 = vector.load %arg5[%get3A_31, %get3A_32] : memref<2x1xf32, #tpu.memory_space<vmem>>, vector<2x1xf32>
    %add3A_34 = vector.broadcast %get3A_33 : vector<2x1xf32> to vector<2x576xf32>
    %add3A_35 = arith.addf %add3A, %add3A_34 : vector<2x576xf32>
    %get3A_36 = arith.constant 0 : index
    %get3A_37 = arith.constant 0 : index
    %get3A_38 = vector.load %arg9[%get3A_36, %get3A_37] : memref<576x1104xf32, #tpu.memory_space<vmem>>, vector<576x1104xf32>
    %dot_general3A_39 = arith.constant dense<0.000000e+00> : vector<2x1104xf32>
    %dot_general3A_40 = tpu.matmul %add3A_35, %get3A_38, %dot_general3A_39 {dimension_numbers = #tpu.dot_dimension_numbers<[1], [0], [0], [1], [0, 0, 1, 1], [], []>, transpose_lhs_hint = false} : vector<2x576xf32>, vector<576x1104xf32>, vector<2x1104xf32> -> vector<2x1104xf32>
    %slice3A = vector.extract_strided_slice %dot_general3A_40 {offsets = [0, 0], sizes = [1, 1104], strides = [1, 1]} : vector<2x1104xf32> to vector<1x1104xf32>
    %slice3A_41 = vector.extract_strided_slice %dot_general3A_40 {offsets = [1, 0], sizes = [1, 1104], strides = [1, 1]} : vector<2x1104xf32> to vector<1x1104xf32>
    %mul3A = arith.mulf %slice3A, %slice3A : vector<1x1104xf32>
    %mul3A_42 = arith.mulf %slice3A_41, %slice3A_41 : vector<1x1104xf32>
    %add3A_43 = arith.addf %mul3A, %mul3A_42 : vector<1x1104xf32>
    %sqrt3A = math.sqrt %add3A_43 : vector<1x1104xf32>
    %add3A_44 = arith.constant 9.99999997E-7 : f32
    %add3A_45 = vector.broadcast %add3A_44 : f32 to vector<1x1104xf32>
    %add3A_46 = arith.addf %sqrt3A, %add3A_45 : vector<1x1104xf32>
    %div3A = arith.constant 1.000000e+00 : f32
    %div3A_47 = vector.broadcast %div3A : f32 to vector<1x1104xf32>
    %div3A_48 = arith.divf %div3A_47, %add3A_46 : vector<1x1104xf32>
    %neg3A = arith.constant 0.000000e+00 : f32
    %neg3A_49 = vector.broadcast %neg3A : f32 to vector<1x1104xf32>
    %neg3A_50 = arith.subf %neg3A_49, %div3A_48 : vector<1x1104xf32>
    %exp3A = math.exp %neg3A_50 : vector<1x1104xf32>
    %add3A_51 = arith.constant 1.000000e+00 : f32
    %add3A_52 = vector.broadcast %add3A_51 : f32 to vector<1x1104xf32>
    %add3A_53 = arith.addf %add3A_52, %exp3A : vector<1x1104xf32>
    %div3A_54 = arith.constant 1.000000e+00 : f32
    %div3A_55 = vector.broadcast %div3A_54 : f32 to vector<1x1104xf32>
    %div3A_56 = arith.divf %div3A_55, %add3A_53 : vector<1x1104xf32>
    %swap3A_57 = arith.constant 0 : index
    %swap3A_58 = arith.constant 0 : index
    %swap3A_59 = arith.constant 0 : index
    %swap3A_60 = vector.load %arg8[%swap3A_57, %swap3A_58, %swap3A_59] : memref<1x1x1104xf32, #tpu.memory_space<vmem>>, vector<1x1x1104xf32>
    %swap3A_61 = vector.shape_cast %swap3A_60 : vector<1x1x1104xf32> to vector<1x1104xf32>
    %swap3A_62 = vector.shape_cast %div3A_56 : vector<1x1104xf32> to vector<1x1x1104xf32>
    tpu.vector_store %arg8[%swap3A_57, %swap3A_58, %swap3A_59], %swap3A_62 {strides = array<i32>} : memref<1x1x1104xf32, #tpu.memory_space<vmem>>, vector<1x1x1104xf32>,
    return
  }
  func.func @transform_0(%arg0: i32) -> (i32, i32, i32) {
    %c0_i32 = arith.constant 0 : i32
    %c0_i32_0 = arith.constant 0 : i32
    %c0_i32_1 = arith.constant 0 : i32
    return %arg0, %c0_i32, %c0_i32_0 : i32, i32, i32
  }
  func.func @transform_1(%arg0: i32) -> (i32, i32, i32) {
    %c0_i32 = arith.constant 0 : i32
    %c0_i32_0 = arith.constant 0 : i32
    %c0_i32_1 = arith.constant 0 : i32
    return %arg0, %c0_i32, %c0_i32_0 : i32, i32, i32
  }
  func.func @transform_2(%arg0: i32) -> (i32, i32) {
    %c0_i32 = arith.constant 0 : i32
    %c0_i32_0 = arith.constant 0 : i32
    %c0_i32_1 = arith.constant 0 : i32
    return %c0_i32, %c0_i32_0 : i32, i32
  }
  func.func @transform_3(%arg0: i32) -> (i32, i32) {
    %c0_i32 = arith.constant 0 : i32
    %c0_i32_0 = arith.constant 0 : i32
    %c0_i32_1 = arith.constant 0 : i32
    return %c0_i32, %c0_i32_0 : i32, i32
  }
  func.func @transform_4(%arg0: i32) -> (i32, i32) {
    %c0_i32 = arith.constant 0 : i32
    %c0_i32_0 = arith.constant 0 : i32
    %c0_i32_1 = arith.constant 0 : i32
    return %c0_i32, %c0_i32_0 : i32, i32
  }
  func.func @transform_5(%arg0: i32) -> (i32, i32) {
    %c0_i32 = arith.constant 0 : i32
    %c0_i32_0 = arith.constant 0 : i32
    %c0_i32_1 = arith.constant 0 : i32
    return %c0_i32, %c0_i32_0 : i32, i32
  }
  func.func @transform_6(%arg0: i32) -> (i32, i32, i32) {
    %c0_i32 = arith.constant 0 : i32
    %c0_i32_0 = arith.constant 0 : i32
    %c0_i32_1 = arith.constant 0 : i32
    return %arg0, %c0_i32, %c0_i32_0 : i32, i32, i32
  }
  func.func @transform_7(%arg0: i32) -> (i32, i32, i32) {
    %c0_i32 = arith.constant 0 : i32
    %c0_i32_0 = arith.constant 0 : i32
    %c0_i32_1 = arith.constant 0 : i32
    return %arg0, %c0_i32, %c0_i32_0 : i32, i32, i32
  }
}

</mosaic_0001>

<sc_bundles>
// kernel: kernel.4.cloned.1.call-start
scs
__scs_entry_jumppad:
0x0: {  	(pc) =	sbr.rel $0x88, $3  }
0x1: {  	(tag) =	ssettag $0x0;
	lr =	simm.s32 $0x1  }
0x2: {  	[smem:$0x3F9C] =	sst lr;
	_ =	strace $0xD0000000  }
0x3: {  	_ = 	snop  }
0x4: {  	_ = 	snop  }
0x5: {  	_ = 	snop  }
0x6: {  	_ = 	snop  }
0x7: {  	_ = 	snop  }
__scs_overlays_trampoline_lowered:
0x8: {  	[smem:$0x3FAB] =	sst s0  }
0x9: {  	[smem:$0x3FAC] =	sst s1  }
0xa: {  	[smem:$0x3FAD] =	sst s2  }
0xb: {  	[smem:$0x3FAE] =	sst s3  }
0xc: {  	[smem:$0x3FAF] =	sst s4  }
0xd: {  	[smem:$0x3FB0] =	sst s5  }
0xe: {  	[smem:$0x3FB1] =	sst s6  }
0xf: {  	[smem:$0x3FB2] =	sst s7  }
0x10: {  	[smem:$0x3FB3] =	sst s8  }
0x11: {  	[smem:$0x3FB4] =	sst s9;
	s0 =	simm.s32 @!p0 $0x0  }
0x12: {  	s1 =	sld [smem:$0x3F9A];
	s0 =	simm.s32 @p0 $0x1  }
0x13: {  	[smem:$0x3FB5] =	sst s0;
	s0 =	simm.s32 @!p1 $0x0  }
0x14: {  	s2 =	sld [smem:$0x3F99];
	s0 =	simm.s32 @p1 $0x1  }
0x15: {  	[smem:$0x3FB6] =	sst s0;
	s0 =	simm.s32 @!p2 $0x0  }
0x16: {  	s3 =	sld [smem:$0x3FDB];
	s0 =	simm.s32 @p2 $0x1  }
0x17: {  	s4 =	simm.s32 $0x1BF5;
	[smem:$0x3FB8] =	sst s0  }
0x18: {  	s0 =	sld [smem:$0x3F9B];
	_ =	swait.ge [sflag:s4], $0x0  }
0x19: {  	s7 =	sld [smem:$0x3F9C]  }
0x1a: {  	s8 =	sadd.s32 $0xFFFFE003, lr  }
0x1b: {  	s9 =	sadd.s32 $0xFFFFFEF7, lr;
	s5 =	simm.s32 $0xFFFFFFFF;
	p2 =	slt.u32 s8, $0xFFFFF086  }
0x1c: {  	p1 =	slt.u32 s9, $0xF7A;
	s5 =	simm.s32 @!p2 $0x0  }
0x1d: {  	s5 =	simm.s32 @p1 $0x1;
	p0 =	seq.s32 s7, s2  }
0x1e: {  	s7 =	smul.u32 @!p0 $0xF7A, s2;
	p2 =	seq.s32 @!p0 s5, $0x0  }
0x1f: {  	s9 =	smul.u32 $0xF7A, s1;
	s8 =	simm.s32 @!p0 $0x1BF5;
	p2 =	por !p2, p0  }
0x20: {  	[sflag:s8] =	ssyncset.s32 @!p0 $0xFFFFF086;
	s6 =	sadd.s32 @!p0 s3, s7;
	s7 =	simm.s32 @!p0 $0x108  }
0x21: {  	s3 =	sadd.s32 s3, s9;
	s6 =	sadd.s32 @!p0 $0x88, s6;
	s7 =	simm.s32 @p2 $0x1082  }
0x22: {  	[simem:s7], [sflag:s8] =	dma.local @!p0 [hbm:s6], $0xF7A  }
0x23: {  	s9 =	sor.u32 $0xD0000000, s2;
	s6 =	simm.s32 $0x108;
	_ =	swait.ge @!p0 [sflag:s8], $0x0  }
0x24: {  	s3 =	sadd.s32 $0x88, s3;
	s6 =	simm.s32 @!p1 $0x1082;
	[sflag:s4] =	ssyncset.s32 $0xFFFFF086  }
0x25: {  	[simem:s6], [sflag:s4] =	dma.local [hbm:s3], $0xF7A  }
0x26: {  	[smem:$0x3F9C] =	sst s1;
	(tag) =	ssettag s2;
	_ =	strace s9  }
0x27: {  	s1 =	sld [smem:$0x3FAC]  }
0x28: {  	s2 =	sld [smem:$0x3FAD]  }
0x29: {  	s4 =	sld [smem:$0x3FAF]  }
0x2a: {  	p0 =	seq.s32 s5, $0x0;
	s5 =	sld [smem:$0x3FB0]  }
0x2b: {  	s6 =	sld [smem:$0x3FB1]  }
0x2c: {  	s7 =	sld [smem:$0x3FB2]  }
0x2d: {  	s3 =	simm.s32 $0x108;
	s8 =	sld [smem:$0x3FB3]  }
0x2e: {  	s3 =	simm.s32 @!p0 $0x1082;
	s9 =	sld [smem:$0x3FB4]  }
0x2f: {  	lr =	sadd.s32 s0, s3;
	s0 =	sld [smem:$0x3FAB]  }
0x30: {  	s3 =	sld [smem:$0x3FAE]  }
0x31: {  	[smem:$0x3FB7] =	sst s10  }
0x32: {  	s10 =	sld [smem:$0x3FB5];
	_ =	sdelay $0x3  }
0x33: {  	p0 =	seq.s32 s10, $0x1;
	s10 =	sld [smem:$0x3FB7];
	_ =	sdelay $0x3  }
0x34: {  	[smem:$0x3FB7] =	sst s10  }
0x35: {  	s10 =	sld [smem:$0x3FB6];
	_ =	sdelay $0x3  }
0x36: {  	p1 =	seq.s32 s10, $0x1;
	s10 =	sld [smem:$0x3FB7];
	_ =	sdelay $0x3  }
0x37: {  	[smem:$0x3FB7] =	sst s10  }
0x38: {  	s10 =	sld [smem:$0x3FB8]  }
0x39: {  	_ = 	snop;
	(pc) =	sbr.ind lr, $3  }
0x3a: {  	_ = 	snop  }
0x3b: {  	_ = 	snop  }
0x3c: {  	p2 =	seq.s32 s10, $0x1;
	s10 =	sld [smem:$0x3FB7]  }
0x3d: {  	_ =	shalt  }
0x3e: {  	_ =	shalt  }
0x3f: {  	_ =	shalt  }
0x40: {  	_ =	shalt  }
0x41: {  	_ =	shalt  }
0x42: {  	_ =	shalt  }
0x43: {  	_ =	shalt  }
0x44: {  	_ =	shalt  }
0x45: {  	_ =	shalt  }
0x46: {  	_ =	shalt  }
0x47: {  	_ =	shalt  }
0x48: {  	_ =	shalt  }
0x49: {  	_ =	shalt  }
0x4a: {  	_ =	shalt  }
0x4b: {  	_ =	shalt  }
0x4c: {  	_ =	shalt  }
0x4d: {  	_ =	shalt  }
0x4e: {  	_ =	shalt  }
0x4f: {  	_ =	shalt  }
0x50: {  	_ =	shalt  }
0x51: {  	_ =	shalt  }
0x52: {  	_ =	shalt  }
0x53: {  	_ =	shalt  }
0x54: {  	_ =	shalt  }
0x55: {  	_ =	shalt  }
0x56: {  	_ =	shalt  }
0x57: {  	_ =	shalt  }
0x58: {  	_ =	shalt  }
0x59: {  	_ =	shalt  }
0x5a: {  	_ =	shalt  }
0x5b: {  	_ =	shalt  }
0x5c: {  	_ =	shalt  }
0x5d: {  	_ =	shalt  }
0x5e: {  	_ =	shalt  }
0x5f: {  	_ =	shalt  }
0x60: {  	_ =	shalt  }
0x61: {  	_ =	shalt  }
0x62: {  	_ =	shalt  }
0x63: {  	_ =	shalt  }
0x64: {  	_ =	shalt  }
0x65: {  	_ =	shalt  }
0x66: {  	_ =	shalt  }
0x67: {  	_ =	shalt  }
0x68: {  	_ =	shalt  }
0x69: {  	_ =	shalt  }
0x6a: {  	_ =	shalt  }
0x6b: {  	_ =	shalt  }
0x6c: {  	_ =	shalt  }
0x6d: {  	_ =	shalt  }
0x6e: {  	_ =	shalt  }
0x6f: {  	_ =	shalt  }
0x70: {  	_ =	shalt  }
0x71: {  	_ =	shalt  }
0x72: {  	_ =	shalt  }
0x73: {  	_ =	shalt  }
0x74: {  	_ =	shalt  }
0x75: {  	_ =	shalt  }
0x76: {  	_ =	shalt  }
0x77: {  	_ =	shalt  }
0x78: {  	_ =	shalt  }
0x79: {  	_ =	shalt  }
0x7a: {  	_ =	shalt  }
0x7b: {  	_ =	shalt  }
0x7c: {  	_ =	shalt  }
0x7d: {  	_ =	shalt  }
0x7e: {  	_ =	shalt  }
0x7f: {  	_ =	shalt  }
0x80: {  	_ =	shalt  }
0x81: {  	_ =	shalt  }
0x82: {  	_ =	shalt  }
0x83: {  	_ =	shalt  }
0x84: {  	_ =	shalt  }
0x85: {  	_ =	shalt  }
0x86: {  	_ =	shalt  }
0x87: {  	_ =	shalt  }
.Lfunc_end0:
.L_simem_size_0:
called_computation_lowered:
.L_overlay_start_0:
0x88: {  	s2 =	sld [smem:$0x3FD9]  }
0x89: {  	s3 =	sld [smem:$0x3FFE];
	_ =	sdelay $0x1  }
0x8a: {  	s1 =	srdreg.scid  }
0x8b: {  	s0 =	sand.u32 $0x1, s1  }
0x8c: {  	s14 =	sshll.u32 s0, $0xA;
	s2 =	sadd.s32 s3, s2  }
0x8d: {  	s2 =	sadd.s32 s2, s14  }
0x8e: {  	[smem:$0x3FC3] =	sst s2  }
0x8f: {  	_ = 	snop  }
0x90: {  	s2 =	sld [smem:$0x3FD0];
	_ =	sdelay $0x2  }
0x91: {  	s15 =	simm.s32 $0xA;
	s4 =	simm.s32 $0x10  }
0x92: {  	[smem:s4], [sflag:s15] =	dma.local [hbm:s2], $0x1  }
0x93: {  	_ =	swait.eq [sflag:s15], $0x1  }
0x94: {  	[sflag:s15] =	ssyncset.done $0x0  }
0x95: {  	[sflag:s15] =	ssyncadd.s32 $0xFFFFFFFF  }
0x96: {  	s16 =	sld [smem:$0x11];
	(tm) =	ssettm $0x1  }
0x97: {  	s17 =	sld [smem:$0x3FFB];
	_ =	sdelay $0x3  }
0x98: {  	_ =	strace s17  }
0x99: {  	s3 =	sld [smem:$0x3FFC];
	_ =	sdelay $0x3  }
0x9a: {  	_ =	strace s3  }
0x9b: {  	s3 =	sld [smem:$0x3FFD];
	_ =	sdelay $0x3  }
0x9c: {  	_ =	strace s3  }
0x9d: {  	_ =	strace $0x8FFFFFFF  }
0x9e: {  	s18 =	sld [smem:$0x3FDB];
	_ =	sdelay $0x1  }
0x9f: {  	s19 =	simm.s32 $_scs_section_size  }
0xa0: {  	s5 =	simm.s32 $_size__tile_overlayer_lowered;
	s6 =	simm.s32 $_tile_overlayer_lowered  }
0xa1: {  	s22 =	simm.s32 $0x1BFF;
	s21 =	sshll.u32 s6, $0x1;
	s3 =	sadd.s32 s19, s18  }
0xa2: {  	s7 =	simm.s32 $0x0;
	s20 =	sshll.u32 s5, $0x1;
	s5 =	sadd.s32 s21, s3  }
0xa3: {  	[timem:s7], [sflag:s22] =	dma.local [hbm:s5], s20  }
0xa4: {  	_ =	swait.ge [sflag:s22], s20  }
0xa5: {  	s4 =	ssub.s32 $0x0, s20;
	[sflag:s22] =	ssyncset.done $0x0  }
0xa6: {  	[sflag:s22] =	ssyncadd.s32 s4;
	_ =	sdelay $0x1  }
0xa7: {  	s23 =	simm.s32 $0x1B8B  }
0xa8: {  	_ =	swait.ge [sflag:s23], $0x1  }
0xa9: {  	[sflag:s23] =	ssyncset.done $0x0  }
0xaa: {  	s25 =	simm.s32 $0x1B8E;
	s24 =	sld [smem:$0x3FFE];
	[sflag:s23] =	ssyncadd.s32 $0xFFFFFFFF  }
0xab: {  	s26 =	simm.s32 $execute0_lowered;
	[smem:$0x3FD2] =	sst s25  }
0xac: {  	s5 =	sshll.u32 s26, $0x1;
	_ =	strace $0x80000046;
	[dreg:$0x1] =	wrdreg $0xFFFFFFFF  }
0xad: {  	s28 =	simm.s32 $_size_execute0_lowered;
	s3 =	sadd.s32 s3, s5;
	[dreg:$0x0] =	wrdreg $0x0  }
0xae: {  	s5 =	sshll.u32 s28, $0x1;
	[dreg:$0x2] =	wrdreg s3  }
0xaf: {  	[dreg:$0x3] =	wrdreg s5  }
0xb0: {  	[dreg:$0x4] =	wrdreg $0xC0  }
0xb1: {  	_ =	task [dreg:s7], $0x5FFFF  }
0xb2: {  	[dreg:$0x1] =	wrdreg $0xFFFFFFFF  }
0xb3: {  	[dreg:$0x0] =	wrdreg $0x60  }
0xb4: {  	[dreg:$0x2] =	wrdreg s16  }
0xb5: {  	[dreg:$0x3] =	wrdreg s24  }
0xb6: {  	[dreg:$0x4] =	wrdreg $0x9  }
0xb7: {  	_ =	task.clear_ibuf [dreg:s7], $0x5FFFF;
	_ =	strace $0x90000046  }
0xb8: {  	s29 =	simm.s32 $0x9;
	_ =	strace $0x80000048  }
0xb9: {  	_ =	swait.ge [sflag:s29], $0x1  }
0xba: {  	[sflag:s29] =	ssyncadd.s32 $0xFFFFFFFF  }
0xbb: {  	_ =	strace $0x90000048  }
0xbc: {  	_ =	sfence  }
0xbd: {  	s30 =	sld [smem:$0x0];
	_ =	sdelay $0x2  }
0xbe: {  	s31 =	sshll.u32 s1, $0xD;
	s1 =	sshrl.u32 s1, $0x2  }
0xbf: {  	s3 =	sand.u32 $0x4000, s31;
	s1 =	sadd.s32 s1, s30  }
0xc0: {  	s0 =	sor.u32 s3, s0;
	s1 =	sshll.u32 s1, $0x11  }
0xc1: {  	s0 =	sor.u32 s1, s0  }
0xc2: {  	s0 =	sadd.s32 $0x8F2B, s0  }
0xc3: {  	[sflag:s0] =	ssyncadd.remote.s32 $0x1  }
0xc4: {  	_ =	sfence.sel $0xFFFF  }
0xc5: {  	[dreg:$0x0] =	wrdreg $0xFFFFFFFF;
	(pc) =	sbr.abs _section_cstart, $3  }
0xc6: {  	[dreg:$0x1] =	wrdreg $0xFFFFFFFF  }
0xc7: {  	_ =	task.clear_ibuf [dreg:s7], $0x2FFFF;
	_ =	strace $0x9FFFFFFF  }
0xc8: {  	(tm) =	ssettm $0x7FFFFFFF  }
0xc9: {  	_ =	shalt  }
tec
execute0_lowered:
.L_overlay_start_1:
0x0: {  	(tag) =	ssettag $0x1  }
0x1: {  	s0 =	stileid.u32  }
0x2: {  	s3 =	rddreg [dreg:$0x0];
	s1 =	srdreg.scid;
	s2 =	sshll.u32 s0, $0x1  }
0x3: {  	s4 =	sand.u32 $0x1, s1;
	s5 =	sshrl.u32 s0, $0x3;
	s30 =	sand.u32 $0xE, s2  }
0x4: {  	s6 =	rddreg [dreg:$0x1];
	s8 =	smul.u32 $0x4500, s5;
	s7 =	sor.u32 s4, s30  }
0x5: {  	s1 =	rddreg [dreg:$0x2];
	s2 =	simm.s32 $0x0;
	s9 =	smul.u32 $0x450, s7  }
0x6: {  	s5 =	smul.u32 $0x8A, s5;
	[smem:$0x7FF] =	sst s2;
	s4 =	ssub.s32 $0x2, s4  }
0x7: {  	_ =	strace $0x80000047;
	s7 =	smul.u32 $0x240, s7;
	s8 =	sadd.s32 s8, s9  }
0x8: {  	s31 =	sshrl.u32 s4, $0x1;
	s3 =	sadd.s32 s3, s5;
	s8 =	sshrl.u32 s8, $0x3  }
0x9: {  	v0 =	vmov s7;
	s7 =	simm.s32 $0x480;
	s6 =	sadd.s32 s8, s6;
	s8 =	ssub.s32 s4, s31  }
0xa: {  	s4 =	sadd.s32 $0x600, s6;
	s5 =	smax.u32 s8, $0x1;
	s6 =	simm.s32 $0x1  }
.LBB2_1:
0xb: {  	[tilespmem:s2], [sflag:$0x1] =	stream.linear.gather [hbm4b:s3+s2], $0x450, $0x38;
	[tilespmem:$0x900] =	vst v63  }
0xc: {  	_ =	swait.ge [sflag:s6], $0x450  }
0xd: {  	[sflag:s6] =	ssyncset.done $0x0  }
0xe: {  	[sflag:s6] =	ssyncadd.s32 $0xFFFFFBB0  }
0xf: {  	v1 =	vld [tilespmem:$0x0]  }
0x10: {  	v2 =	vld [tilespmem:$0x10]  }
0x11: {  	v3 =	vld [tilespmem:$0x20]  }
0x12: {  	v4 =	vld [tilespmem:$0x30]  }
0x13: {  	v5 =	vld [tilespmem:$0x40]  }
0x14: {  	v6 =	vld [tilespmem:$0x50];
	v1 =	vadd.s32 v0, v1  }
0x15: {  	[tilespmem:$0x480] =	vst v1;
	v1 =	vadd.s32 v0, v2;
	v2 =	vld [tilespmem:$0x60]  }
0x16: {  	[tilespmem:$0x490] =	vst v1;
	v1 =	vadd.s32 v0, v3;
	v3 =	vld [tilespmem:$0x70]  }
0x17: {  	v27 =	vld [tilespmem:$0x80];
	[tilespmem:$0x4A0] =	vst v1;
	v1 =	vadd.s32 v0, v4  }
0x18: {  	v28 =	vld [tilespmem:$0x90];
	[tilespmem:$0x4B0] =	vst v1;
	v1 =	vadd.s32 v0, v5  }
0x19: {  	v29 =	vld [tilespmem:$0xA0];
	[tilespmem:$0x4C0] =	vst v1;
	v1 =	vadd.s32 v0, v6  }
0x1a: {  	[tilespmem:$0x4D0] =	vst v1;
	v1 =	vadd.s32 v0, v2;
	v2 =	vld [tilespmem:$0xB0]  }
0x1b: {  	[tilespmem:$0x4E0] =	vst v1;
	v1 =	vadd.s32 v0, v3;
	v3 =	vld [tilespmem:$0xC0]  }
0x1c: {  	v30 =	vld [tilespmem:$0xD0];
	[tilespmem:$0x4F0] =	vst v1;
	v1 =	vadd.s32 v0, v27  }
0x1d: {  	v31 =	vld [tilespmem:$0xE0];
	[tilespmem:$0x500] =	vst v1;
	v1 =	vadd.s32 v0, v28  }
0x1e: {  	v32 =	vld [tilespmem:$0xF0];
	[tilespmem:$0x510] =	vst v1;
	v1 =	vadd.s32 v0, v29  }
0x1f: {  	[tilespmem:$0x520] =	vst v1;
	v1 =	vadd.s32 v0, v2;
	v2 =	vld [tilespmem:$0x100]  }
0x20: {  	[tilespmem:$0x530] =	vst v1;
	v1 =	vadd.s32 v0, v3;
	v3 =	vld [tilespmem:$0x110]  }
0x21: {  	v33 =	vld [tilespmem:$0x120];
	[tilespmem:$0x540] =	vst v1;
	v1 =	vadd.s32 v0, v30  }
0x22: {  	v34 =	vld [tilespmem:$0x130];
	[tilespmem:$0x550] =	vst v1;
	v1 =	vadd.s32 v0, v31  }
0x23: {  	v35 =	vld [tilespmem:$0x140];
	[tilespmem:$0x560] =	vst v1;
	v1 =	vadd.s32 v0, v32  }
0x24: {  	[tilespmem:$0x570] =	vst v1;
	v1 =	vadd.s32 v0, v2;
	v2 =	vld [tilespmem:$0x150]  }
0x25: {  	[tilespmem:$0x580] =	vst v1;
	v1 =	vadd.s32 v0, v3;
	v3 =	vld [tilespmem:$0x160]  }
0x26: {  	v36 =	vld [tilespmem:$0x170];
	[tilespmem:$0x590] =	vst v1;
	v1 =	vadd.s32 v0, v33  }
0x27: {  	v37 =	vld [tilespmem:$0x180];
	[tilespmem:$0x5A0] =	vst v1;
	v1 =	vadd.s32 v0, v34  }
0x28: {  	v38 =	vld [tilespmem:$0x190];
	[tilespmem:$0x5B0] =	vst v1;
	v1 =	vadd.s32 v0, v35  }
0x29: {  	[tilespmem:$0x5C0] =	vst v1;
	v1 =	vadd.s32 v0, v2;
	v2 =	vld [tilespmem:$0x1A0]  }
0x2a: {  	[tilespmem:$0x5D0] =	vst v1;
	v1 =	vadd.s32 v0, v3;
	v3 =	vld [tilespmem:$0x1B0]  }
0x2b: {  	v39 =	vld [tilespmem:$0x1C0];
	[tilespmem:$0x5E0] =	vst v1;
	v1 =	vadd.s32 v0, v36  }
0x2c: {  	v40 =	vld [tilespmem:$0x1D0];
	[tilespmem:$0x5F0] =	vst v1;
	v1 =	vadd.s32 v0, v37  }
0x2d: {  	v41 =	vld [tilespmem:$0x1E0];
	[tilespmem:$0x600] =	vst v1;
	v1 =	vadd.s32 v0, v38  }
0x2e: {  	[tilespmem:$0x610] =	vst v1;
	v1 =	vadd.s32 v0, v2;
	v2 =	vld [tilespmem:$0x1F0]  }
0x2f: {  	[tilespmem:$0x620] =	vst v1;
	v1 =	vadd.s32 v0, v3;
	v3 =	vld [tilespmem:$0x200]  }
0x30: {  	v42 =	vld [tilespmem:$0x210];
	[tilespmem:$0x630] =	vst v1;
	v1 =	vadd.s32 v0, v39  }
0x31: {  	v43 =	vld [tilespmem:$0x220];
	[tilespmem:$0x640] =	vst v1;
	v1 =	vadd.s32 v0, v40  }
0x32: {  	v44 =	vld [tilespmem:$0x230];
	[tilespmem:$0x650] =	vst v1;
	v1 =	vadd.s32 v0, v41  }
0x33: {  	[tilespmem:$0x660] =	vst v1;
	v1 =	vadd.s32 v0, v2;
	v2 =	vld [tilespmem:$0x240]  }
0x34: {  	[tilespmem:$0x670] =	vst v1;
	v1 =	vadd.s32 v0, v3;
	v3 =	vld [tilespmem:$0x250]  }
0x35: {  	v45 =	vld [tilespmem:$0x260];
	[tilespmem:$0x680] =	vst v1;
	v1 =	vadd.s32 v0, v42  }
0x36: {  	v46 =	vld [tilespmem:$0x270];
	[tilespmem:$0x690] =	vst v1;
	v1 =	vadd.s32 v0, v43  }
0x37: {  	v47 =	vld [tilespmem:$0x280];
	[tilespmem:$0x6A0] =	vst v1;
	v1 =	vadd.s32 v0, v44  }
0x38: {  	[tilespmem:$0x6B0] =	vst v1;
	v1 =	vadd.s32 v0, v2;
	v2 =	vld [tilespmem:$0x290]  }
0x39: {  	[tilespmem:$0x6C0] =	vst v1;
	v1 =	vadd.s32 v0, v3;
	v3 =	vld [tilespmem:$0x2A0]  }
0x3a: {  	v48 =	vld [tilespmem:$0x2B0];
	[tilespmem:$0x6D0] =	vst v1;
	v1 =	vadd.s32 v0, v45  }
0x3b: {  	v49 =	vld [tilespmem:$0x2C0];
	[tilespmem:$0x6E0] =	vst v1;
	v1 =	vadd.s32 v0, v46  }
0x3c: {  	v50 =	vld [tilespmem:$0x2D0];
	[tilespmem:$0x6F0] =	vst v1;
	v1 =	vadd.s32 v0, v47  }
0x3d: {  	[tilespmem:$0x700] =	vst v1;
	v1 =	vadd.s32 v0, v2;
	v2 =	vld [tilespmem:$0x2E0]  }
0x3e: {  	[tilespmem:$0x710] =	vst v1;
	v1 =	vadd.s32 v0, v3;
	v3 =	vld [tilespmem:$0x2F0]  }
0x3f: {  	v51 =	vld [tilespmem:$0x300];
	[tilespmem:$0x720] =	vst v1;
	v1 =	vadd.s32 v0, v48  }
0x40: {  	v52 =	vld [tilespmem:$0x310];
	[tilespmem:$0x730] =	vst v1;
	v1 =	vadd.s32 v0, v49  }
0x41: {  	v53 =	vld [tilespmem:$0x320];
	[tilespmem:$0x740] =	vst v1;
	v1 =	vadd.s32 v0, v50  }
0x42: {  	[tilespmem:$0x750] =	vst v1;
	v1 =	vadd.s32 v0, v2;
	v2 =	vld [tilespmem:$0x330]  }
0x43: {  	[tilespmem:$0x760] =	vst v1;
	v1 =	vadd.s32 v0, v3;
	v3 =	vld [tilespmem:$0x340]  }
0x44: {  	v54 =	vld [tilespmem:$0x350];
	[tilespmem:$0x770] =	vst v1;
	v1 =	vadd.s32 v0, v51  }
0x45: {  	v55 =	vld [tilespmem:$0x360];
	[tilespmem:$0x780] =	vst v1;
	v1 =	vadd.s32 v0, v52  }
0x46: {  	v56 =	vld [tilespmem:$0x370];
	[tilespmem:$0x790] =	vst v1;
	v1 =	vadd.s32 v0, v53  }
0x47: {  	[tilespmem:$0x7A0] =	vst v1;
	v1 =	vadd.s32 v0, v2;
	v2 =	vld [tilespmem:$0x380]  }
0x48: {  	[tilespmem:$0x7B0] =	vst v1;
	v1 =	vadd.s32 v0, v3;
	v3 =	vld [tilespmem:$0x390]  }
0x49: {  	v57 =	vld [tilespmem:$0x3A0];
	[tilespmem:$0x7C0] =	vst v1;
	v1 =	vadd.s32 v0, v54  }
0x4a: {  	v58 =	vld [tilespmem:$0x3B0];
	[tilespmem:$0x7D0] =	vst v1;
	v1 =	vadd.s32 v0, v55  }
0x4b: {  	v59 =	vld [tilespmem:$0x3C0];
	[tilespmem:$0x7E0] =	vst v1;
	v1 =	vadd.s32 v0, v56  }
0x4c: {  	[tilespmem:$0x7F0] =	vst v1;
	v1 =	vadd.s32 v0, v2;
	v2 =	vld [tilespmem:$0x3D0]  }
0x4d: {  	[tilespmem:$0x800] =	vst v1;
	v1 =	vadd.s32 v0, v3;
	v3 =	vld [tilespmem:$0x3E0]  }
0x4e: {  	v60 =	vld [tilespmem:$0x3F0];
	[tilespmem:$0x810] =	vst v1;
	v1 =	vadd.s32 v0, v57  }
0x4f: {  	v61 =	vld [tilespmem:$0x400];
	[tilespmem:$0x820] =	vst v1;
	v1 =	vadd.s32 v0, v58  }
0x50: {  	v62 =	vld [tilespmem:$0x410];
	[tilespmem:$0x830] =	vst v1;
	v1 =	vadd.s32 v0, v59  }
0x51: {  	[tilespmem:$0x840] =	vst v1;
	v1 =	vadd.s32 v0, v2;
	v2 =	vld [tilespmem:$0x420]  }
0x52: {  	[tilespmem:$0x850] =	vst v1;
	v1 =	vadd.s32 v0, v3;
	v3 =	vld [tilespmem:$0x430]  }
0x53: {  	v63 =	vld [tilespmem:$0x440];
	[tilespmem:$0x860] =	vst v1;
	v1 =	vadd.s32 v0, v60  }
0x54: {  	[tilespmem:$0x870] =	vst v1;
	v1 =	vadd.s32 v0, v61  }
0x55: {  	[tilespmem:$0x880] =	vst v1;
	v1 =	vadd.s32 v0, v62  }
0x56: {  	[tilespmem:$0x890] =	vst v1;
	v1 =	vadd.s32 v0, v2  }
0x57: {  	[tilespmem:$0x8A0] =	vst v1;
	v1 =	vadd.s32 v0, v3  }
0x58: {  	p0 =	sne.s32 s5, $0x1;
	[tilespmem:$0x8B0] =	vst v1;
	v1 =	vadd.s32 v0, v63  }
.Ltmp0:
0x59: {  	[tilespmem:$0x8C0] =	vst v1;
	(pc) =	sbr.rel @p0 .LBB2_1-.Ltmp0, $4  }
0x5a: {  	[hbm4b:s4+s2] =	stream.linear.scatter [tilespmem:s7], [sflag:$0x1], $0x450, $0x38;
	[tilespmem:$0x900] =	vst v63  }
0x5b: {  	_ =	swait.ge [sflag:s6], $0x450  }
0x5c: {  	[sflag:s6] =	ssyncset.done $0x0  }
0x5d: {  	s5 =	sadd.s32 $0xFFFFFFFF, s5;
	[sflag:s6] =	ssyncadd.s32 $0xFFFFFBB0  }
0x5e: {  	_ =	sfence.sel $0x180000  }
0x5f: {  	[bflag:$0x0] =	sbarrier.arrive $0xFFFF  }
0x60: {  	p0 =	sne.s32 s0, $0x0;
	_ =	strace $0x90000047  }
0x61: {  	s0 =	sadd.s32 @!p0 $0x100000, s1;
	[bflag:$0x2] =	sbarrier.arrive $0xFFFF  }
0x62: {  	[sflag:s0] =	ssyncadd.tile.s32 @!p0 $0x1;
	_ =	shalt  }
.Lfunc_end2:
_tile_overlayer_lowered:
.L_overlay_start_2:
0x63: {  	(tag) =	ssettag $0x2  }
0x64: {  	s0 =	rddreg [dreg:$0x0];
	s2 =	stileid.u32  }
0x65: {  	s1 =	rddreg [dreg:$0x1];
	p0 =	sne.s32 s2, $0x0  }
0x66: {  	s3 =	rddreg [dreg:$0x2];
	[bflag:$0x3] =	sbarrier.arrive $0xFFFF;
	s2 =	simm.s32 @!p0 $0x1C01  }
0x67: {  	[timem:s3], [sflag:s2] =	dma.local @!p0 [hbm:s0], s1  }
0x68: {  	s0 =	simm.s32 @!p0 $0x1  }
0x69: {  	_ =	swait.ge @!p0 [sflag:s0], s1  }
0x6a: {  	s1 =	ssub.s32 @!p0 $0x0, s1;
	[sflag:s0] =	ssyncset.done @!p0 $0x0  }
0x6b: {  	[sflag:s0] =	ssyncadd.s32 @!p0 s1  }
0x6c: {  	[bflag:$0x3] =	sbarrier.arrive $0xFFFF  }
0x6d: {  	_ =	shalt  }

</sc_bundles>
